<compile_context>
chip_gen: v7x
topology: tpu7x:2x2x1
jax: 0.10.2.dev20260603
libtpu: 0.0.44.dev20260713+nightly
codegen_flags: <defaults>
</compile_context>

<pallas_src>
import functools
import jax
import jax.numpy as jnp
from jax import lax
from jax.experimental import pallas as pl
from jax.experimental.pallas import tpu as pltpu
from jax.experimental.pallas import tpu_sc as plsc

N = 10000
E = 160000
D = 256
H = 128
E_P = 163840
EPT_C = E_P // 16
EPT_AD = E_P // 32
N_ACC = 10112
ROWS_PT = N_ACC // 16
CHUNK = 128
NCHUNK = EPT_C // CHUNK
NBUF = 2

_MESH = plsc.VectorSubcoreMesh(core_axis_name="c", subcore_axis_name="s")



@functools.partial(
    pl.kernel, mesh=_MESH,
    out_type=jax.ShapeDtypeStruct((32, N_ACC), jnp.float32),
    scratch_types=[
        pltpu.VMEM((EPT_AD,), jnp.int32),
        pltpu.VMEM((N_ACC,), jnp.float32),
    ],
    compiler_params=pltpu.CompilerParams(needs_layout_passes=False),
)
def _deg_kernel(dst_hbm, zeros_hbm, out_hbm, dst_v, acc_v):
    c = lax.axis_index("c")
    s = lax.axis_index("s")
    wid = s * 2 + c
    pltpu.sync_copy(zeros_hbm, acc_v)
    pltpu.sync_copy(dst_hbm.at[pl.ds(wid * EPT_AD, EPT_AD)], dst_v)
    ones = jnp.full((16,), 1.0, jnp.float32)

    def body(i, carry):
        idx = dst_v[pl.ds(i * 16, 16)]
        plsc.addupdate_scatter(acc_v, [idx], ones)
        return carry

    lax.fori_loop(0, EPT_AD // 16, body, 0)
    pltpu.sync_copy(acc_v, out_hbm.at[wid])



@functools.partial(
    pl.kernel, mesh=_MESH,
    out_type=jax.ShapeDtypeStruct((2 * N, H), jnp.float32),
    scratch_types=[
        pltpu.VMEM((NCHUNK // 2, CHUNK), jnp.int32),
        pltpu.VMEM((NCHUNK // 2, CHUNK), jnp.int32),
        [pltpu.VMEM((CHUNK, H), jnp.float32)] * NBUF,
        [pltpu.SemaphoreType.DMA] * NBUF,
        pltpu.VMEM_SHARED((N_ACC, H), jnp.float32),
    ],
)
def _agg_kernel(srcb_hbm, dstp_hbm, g_hbm, zrows_hbm, out_hbm,
                idx_s, idx_d, rows, gsem, acc_sh):
    c = lax.axis_index("c")
    s = lax.axis_index("s")
    zcp = pltpu.async_copy(zrows_hbm, acc_sh.at[pl.ds(s * ROWS_PT, ROWS_PT)],
                           gsem[0])
    pltpu.sync_copy(srcb_hbm.at[(c * 16 + s) * 2], idx_s)
    pltpu.sync_copy(dstp_hbm.at[s * 2], idx_d)
    zcp.wait()
    plsc.subcore_barrier()

    nh = NCHUNK // 2
    for part in range(2):
        if part:
            pltpu.sync_copy(srcb_hbm.at[(c * 16 + s) * 2 + part], idx_s)
            pltpu.sync_copy(dstp_hbm.at[s * 2 + part], idx_d)
        for b in range(NBUF):
            pltpu.async_copy(g_hbm.at[idx_s.at[b]], rows[b], gsem[b])

        def group(j, carry):
            for b in range(NBUF):
                i = j * NBUF + b
                pltpu.make_async_copy(g_hbm.at[idx_s.at[i]], rows[b],
                                      gsem[b]).wait()
                pltpu.sync_copy(rows[b], acc_sh.at[idx_d.at[i]], add=True)

                @pl.when(j < nh // NBUF - 1)
                def _():
                    pltpu.async_copy(g_hbm.at[idx_s.at[i + NBUF]], rows[b],
                                     gsem[b])

            return carry

        lax.fori_loop(0, nh // NBUF, group, 0)
    plsc.subcore_barrier()

    off = s * ROWS_PT

    @pl.when(s < 15)
    def _():
        pltpu.sync_copy(acc_sh.at[pl.ds(off, ROWS_PT)],
                        out_hbm.at[pl.ds(c * N + off, ROWS_PT)])

    @pl.when(s == 15)
    def _():
        pltpu.sync_copy(acc_sh.at[pl.ds(off, N - 15 * ROWS_PT)],
                        out_hbm.at[pl.ds(c * N + off, N - 15 * ROWS_PT)])



@functools.partial(
    pl.kernel, mesh=_MESH,
    out_type=jax.ShapeDtypeStruct((32, 16), jnp.float32),
    scratch_types=[
        pltpu.VMEM((EPT_AD,), jnp.int32),
        pltpu.VMEM((EPT_AD,), jnp.int32),
        pltpu.VMEM((N_ACC,), jnp.float32),
        pltpu.VMEM((N_ACC,), jnp.float32),
        pltpu.VMEM((16,), jnp.float32),
    ],
    compiler_params=pltpu.CompilerParams(needs_layout_passes=False),
)
def _edge_dot_kernel(srcp_hbm, dstp_hbm, t_hbm, dinv_hbm, out_hbm,
                     src_v, dst_v, t_v, dinv_v, red_v):
    c = lax.axis_index("c")
    s = lax.axis_index("s")
    wid = s * 2 + c
    pltpu.sync_copy(t_hbm, t_v)
    pltpu.sync_copy(dinv_hbm, dinv_v)
    pltpu.sync_copy(srcp_hbm.at[pl.ds(wid * EPT_AD, EPT_AD)], src_v)
    pltpu.sync_copy(dstp_hbm.at[pl.ds(wid * EPT_AD, EPT_AD)], dst_v)

    def body(i, acc):
        si = src_v[pl.ds(i * 16, 16)]
        di = dst_v[pl.ds(i * 16, 16)]
        tv = plsc.load_gather(t_v, [si])
        dv = plsc.load_gather(dinv_v, [di])
        return acc + tv * dv

    acc = lax.fori_loop(0, EPT_AD // 16, body, jnp.zeros((16,), jnp.float32))
    red_v[...] = acc
    pltpu.sync_copy(red_v, out_hbm.at[wid])



_BLK = 1024


def _b1_body(x_ref, w_ref, cnt_ref, g_ref, dinv_ref):
    deg = jnp.sum(cnt_ref[...], axis=0) + 1.0
    dinv = lax.rsqrt(jnp.maximum(deg, 1e-12))[:, None]
    g = jnp.dot(x_ref[...], w_ref[...], preferred_element_type=jnp.float32)
    g = g * dinv
    g_ref[0] = g[:, :H]
    g_ref[1] = g[:, H:]
    dinv_ref[...] = dinv


def _b2_body(agg_ref, g_ref, dinv_ref, b_ref, w_ref, out_ref):
    dinv = dinv_ref[...]
    pre = jnp.concatenate([agg_ref[0] + g_ref[0], agg_ref[1] + g_ref[1]],
                          axis=1)
    h = jax.nn.relu(dinv * pre + b_ref[...][None, :])
    g2 = jnp.dot(h, w_ref[...], preferred_element_type=jnp.float32) * dinv
    out_ref[0] = g2[:, :H]
    out_ref[1] = g2[:, H:]


def _b3_body(agg_ref, g_ref, dinv_ref, b_ref, w_ref, t_ref, r_ref):
    dinv = dinv_ref[...]
    pre = jnp.concatenate([agg_ref[0] + g_ref[0], agg_ref[1] + g_ref[1]],
                          axis=1)
    h = jax.nn.relu(dinv * pre + b_ref[...][None, :])
    sv = jnp.dot(h, w_ref[...], preferred_element_type=jnp.float32)
    t_ref[...] = sv * dinv

    @pl.when(pl.program_id(0) == 0)
    def _():
        r_ref[...] = jnp.zeros_like(r_ref)

    row = pl.program_id(0) * _BLK + lax.broadcasted_iota(jnp.int32,
                                                         sv.shape, 0)
    r_ref[...] += jnp.sum(jnp.where(row < N, sv * dinv * dinv, 0.0))


def _split_spec(i):
    return (0, i, 0)


def kernel(x, edge_index, W1, b1, W2, b2, W3, b3):
    f32 = jnp.float32
    src = edge_index[0]
    dst = edge_index[1]
    npad = E_P - E
    srcp = jnp.concatenate([src, jnp.zeros((npad,), jnp.int32)])
    dstp = jnp.concatenate([dst, jnp.full((npad,), N, jnp.int32)])
    srcb = jnp.concatenate([srcp, srcp + N]).reshape(64, NCHUNK // 2, CHUNK)
    dstc = dstp.reshape(32, NCHUNK // 2, CHUNK)
    zeros_n = jnp.zeros((N_ACC,), f32)
    zrows = jnp.zeros((ROWS_PT, H), f32)

    cnt = _deg_kernel(dstp, zeros_n)

    grid = (N + _BLK - 1) // _BLK
    g_spec = pl.BlockSpec((2, _BLK, H), _split_spec)
    dinv_spec = pl.BlockSpec((_BLK, 1), lambda i: (i, 0))
    w_spec = pl.BlockSpec((D, D), lambda i: (0, 0))
    b_spec = pl.BlockSpec((D,), lambda i: (0,))

    g1, dinv = pl.pallas_call(
        _b1_body,
        grid=(grid,),
        in_specs=[
            pl.BlockSpec((_BLK, D), lambda i: (i, 0)),
            w_spec,
            pl.BlockSpec((32, _BLK), lambda i: (0, i)),
        ],
        out_specs=[g_spec, dinv_spec],
        out_shape=[
            jax.ShapeDtypeStruct((2, N, H), f32),
            jax.ShapeDtypeStruct((N, 1), f32),
        ],
    )(x, W1, cnt)

    g1f = g1.reshape(2 * N, H)
    agg1 = _agg_kernel(srcb, dstc, g1f, zrows).reshape(2, N, H)

    g2 = pl.pallas_call(
        _b2_body,
        grid=(grid,),
        in_specs=[g_spec, g_spec, dinv_spec, b_spec, w_spec],
        out_specs=g_spec,
        out_shape=jax.ShapeDtypeStruct((2, N, H), f32),
    )(agg1, g1, dinv, b1, W2)

    g2f = g2.reshape(2 * N, H)
    agg2 = _agg_kernel(srcb, dstc, g2f, zrows).reshape(2, N, H)

    t, r = pl.pallas_call(
        _b3_body,
        grid=(grid,),
        in_specs=[g_spec, g_spec, dinv_spec, b_spec,
                  pl.BlockSpec((D, 1), lambda i: (0, 0))],
        out_specs=[dinv_spec, pl.BlockSpec((1, 1), lambda i: (0, 0))],
        out_shape=[
            jax.ShapeDtypeStruct((N, 1), f32),
            jax.ShapeDtypeStruct((1, 1), f32),
        ],
    )(agg2, g2, dinv, b2, W3)

    tp = jnp.concatenate([t[:, 0], jnp.zeros((N_ACC - N,), f32)])
    dinvp = jnp.concatenate([dinv[:, 0], jnp.zeros((N_ACC - N,), f32)])
    parts = _edge_dot_kernel(srcp, dstp, tp, dinvp)

    out = jnp.sum(parts) + r[0, 0] + jnp.float32(N) * b3[0]
    return jnp.reshape(out, (1,))

# --- scband reference (transcript-rebuilt; emitter-appended) ---
"""Pipeline reference for scband-net-13494787244688 (READ-ONLY COPY).

The authoritative reference and input builder live on the scoring server;
editing this copy changes nothing except your own understanding.
"""

import jax, jax.numpy as jnp
import numpy as np

N_NODES = 10000
N_EDGES = 160000
D_FEAT = 256


def _gcn_conv(x, src, dst, W, b, num_nodes):
    # GCNConv: linear transform, symmetric deg normalization with self-loops, scatter-add, bias
    h = x @ W
    deg = jax.ops.segment_sum(jnp.ones(src.shape[0], x.dtype), dst, num_segments=num_nodes)
    dinv = jax.lax.rsqrt(jnp.maximum(deg, 1e-12))
    norm = dinv[src] * dinv[dst]
    out = jax.ops.segment_sum(h[src] * norm[:, None], dst, num_segments=num_nodes)
    return out + b


def setup_inputs(seed: int = 0) -> dict:
    key = jax.random.key(seed)
    ks = jax.random.split(key, 9)
    x = jax.random.normal(ks[0], (N_NODES, D_FEAT), dtype=jnp.float32)
    edge_index = jax.random.randint(ks[1], (2, N_EDGES), 0, N_NODES, dtype=jnp.int32)
    s = 1.0 / np.sqrt(D_FEAT)
    W1 = jax.random.normal(ks[2], (D_FEAT, D_FEAT), dtype=jnp.float32) * s
    b1 = jnp.zeros((D_FEAT,), dtype=jnp.float32)
    W2 = jax.random.normal(ks[3], (D_FEAT, D_FEAT), dtype=jnp.float32) * s
    b2 = jnp.zeros((D_FEAT,), dtype=jnp.float32)
    W3 = jax.random.normal(ks[4], (D_FEAT, 1), dtype=jnp.float32) * s
    b3 = jnp.zeros((1,), dtype=jnp.float32)
    return {"x": x, "edge_index": edge_index, "W1": W1, "b1": b1, "W2": W2, "b2": b2, "W3": W3, "b3": b3}


def reference(x, edge_index, W1, b1, W2, b2, W3, b3):
    # Single-graph version of Net.forward (eval mode: dropout = identity)
    num_nodes = x.shape[0]
    loops = jnp.arange(num_nodes, dtype=edge_index.dtype)
    src = jnp.concatenate([edge_index[0], loops])
    dst = jnp.concatenate([edge_index[1], loops])
    h = _gcn_conv(x, src, dst, W1, b1, num_nodes)
    h = jax.nn.relu(h)
    h = _gcn_conv(h, src, dst, W2, b2, num_nodes)
    h = jax.nn.relu(h)
    h = _gcn_conv(h, src, dst, W3, b3, num_nodes)
    return jnp.stack([jnp.sum(h)])

if __name__ == "__main__":
    import jax
    _d = setup_inputs()
    print(jax.jit(kernel)(*tuple(_d.values())))

</pallas_src>

<mosaic_0001>
#map = affine_map<(d0, d1) -> (0)>
#map1 = affine_map<(d0, d1) -> (0, 0)>
module attributes {stable_mosaic.version = 14 : i64} {
  func.func @_deg_kernel(%arg0: i32, %arg1: i32, %arg2: memref<163840xi32, #tpu.memory_space<hbm>>, %arg3: memref<10112xf32, #tpu.memory_space<hbm>>, %arg4: memref<32x10112xf32, #tpu.memory_space<hbm>>, %arg5: memref<5120xi32, #tpu.memory_space<vmem>>, %arg6: memref<10112xf32, #tpu.memory_space<vmem>>) attributes {dimension_semantics = [#tpu.dimension_semantics<core_parallel>, #tpu.dimension_semantics<subcore_parallel>], iteration_bounds = array<i64: 2, 16>, scalar_prefetch = 0 : i64, scratch_operands = 2 : i64, tpu.core_type = #tpu.core_type<sc_vector_subcore>, window_params = [{transform_indices = #map}, {transform_indices = #map}, {transform_indices = #map1}]} {
    %mul3A = arith.constant 2 : i32
    %mul3A_0 = arith.muli %arg1, %mul3A : i32
    %add3A = arith.addi %mul3A_0, %arg0 : i32
    "tpu.region"() ({
      %run_scoped3A = tpu.sem_alloc : memref<!tpu.dma_semaphore, #tpu.memory_space<semaphore_mem>>
      tpu.enqueue_dma source(%arg3 : memref<10112xf32, #tpu.memory_space<hbm>>) target(%arg6 : memref<10112xf32, #tpu.memory_space<vmem>>) target_semaphore(%run_scoped3A : memref<!tpu.dma_semaphore, #tpu.memory_space<semaphore_mem>>)
      tpu.wait_dma2 semaphore(%run_scoped3A : memref<!tpu.dma_semaphore, #tpu.memory_space<semaphore_mem>>) src(%arg3 : memref<10112xf32, #tpu.memory_space<hbm>>) dst(%arg6 : memref<10112xf32, #tpu.memory_space<vmem>>)
      tpu.yield
    }) : () -> ()
    %mul3A_1 = arith.constant 5120 : i32
    %mul3A_2 = arith.muli %add3A, %mul3A_1 : i32
    "tpu.region"() ({
      %run_scoped3A = tpu.sem_alloc : memref<!tpu.dma_semaphore, #tpu.memory_space<semaphore_mem>>
      %dma_start3A = tpu.memref_slice %arg2[%mul3A_2] : memref<163840xi32, #tpu.memory_space<hbm>> -> memref<5120xi32, #tpu.memory_space<hbm>>
      %dma_start3A_9 = tpu.memref_slice %arg2[%mul3A_2] : memref<163840xi32, #tpu.memory_space<hbm>> -> memref<5120xi32, #tpu.memory_space<hbm>>
      tpu.enqueue_dma source(%dma_start3A_9 : memref<5120xi32, #tpu.memory_space<hbm>>) target(%arg5 : memref<5120xi32, #tpu.memory_space<vmem>>) target_semaphore(%run_scoped3A : memref<!tpu.dma_semaphore, #tpu.memory_space<semaphore_mem>>)
      %dma_wait3A = tpu.memref_slice %arg2[%mul3A_2] : memref<163840xi32, #tpu.memory_space<hbm>> -> memref<5120xi32, #tpu.memory_space<hbm>>
      %dma_wait3A_10 = tpu.memref_slice %arg2[%mul3A_2] : memref<163840xi32, #tpu.memory_space<hbm>> -> memref<5120xi32, #tpu.memory_space<hbm>>
      tpu.wait_dma2 semaphore(%run_scoped3A : memref<!tpu.dma_semaphore, #tpu.memory_space<semaphore_mem>>) src(%dma_wait3A_10 : memref<5120xi32, #tpu.memory_space<hbm>>) dst(%arg5 : memref<5120xi32, #tpu.memory_space<vmem>>)
      tpu.yield
    }) : () -> ()
    %broadcast_in_dim3A = arith.constant 1.000000e+00 : f32
    %broadcast_in_dim3A_3 = vector.broadcast %broadcast_in_dim3A : f32 to vector<16xf32>
    %scan3A = arith.constant 0 : i32
    %scan3A_4 = arith.constant 0 : i32
    %scan3A_5 = arith.constant 320 : i32
    %scan3A_6 = arith.addi %scan3A_4, %scan3A_5 : i32
    %scan3A_7 = arith.constant 1 : i32
    scf.for %scan3A_9 = %scan3A_4 to %scan3A_6 step %scan3A_7  : i32 {
      %mul3A_10 = arith.constant 16 : i32
      %mul3A_11 = arith.muli %scan3A_9, %mul3A_10 : i32
      %get3A = arith.index_cast %mul3A_11 : i32 to index
      %get3A_12 = tpu.vector_load %arg5[%get3A] {strides = array<i32>} : memref<5120xi32, #tpu.memory_space<vmem>>, vector<16xi32>,
      tpu.vector_store_idx %arg6[%get3A_12], %broadcast_in_dim3A_3 {add = true} : memref<10112xf32, #tpu.memory_space<vmem>>[vector<16xi32>], vector<16xf32>,
    }
    %scan3A_8 = arith.constant 320 : i32
    "tpu.region"() ({
      %run_scoped3A = tpu.sem_alloc : memref<!tpu.dma_semaphore, #tpu.memory_space<semaphore_mem>>
      %dma_start3A = arith.constant 0 : i32
      %dma_start3A_9 = tpu.memref_slice %arg4[%add3A, %dma_start3A] : memref<32x10112xf32, #tpu.memory_space<hbm>> -> memref<1x10112xf32, #tpu.memory_space<hbm>>
      %dma_start3A_10 = tpu.memref_squeeze %dma_start3A_9 : memref<1x10112xf32, #tpu.memory_space<hbm>> -> memref<10112xf32, #tpu.memory_space<hbm>>
      %dma_start3A_11 = arith.constant 0 : i32
      %dma_start3A_12 = tpu.memref_slice %arg4[%add3A, %dma_start3A_11] : memref<32x10112xf32, #tpu.memory_space<hbm>> -> memref<1x10112xf32, #tpu.memory_space<hbm>>
      %dma_start3A_13 = tpu.memref_squeeze %dma_start3A_12 : memref<1x10112xf32, #tpu.memory_space<hbm>> -> memref<10112xf32, #tpu.memory_space<hbm>>
      tpu.enqueue_dma source(%arg6 : memref<10112xf32, #tpu.memory_space<vmem>>) target(%dma_start3A_13 : memref<10112xf32, #tpu.memory_space<hbm>>) target_semaphore(%run_scoped3A : memref<!tpu.dma_semaphore, #tpu.memory_space<semaphore_mem>>)
      %dma_wait3A = arith.constant 0 : i32
      %dma_wait3A_14 = tpu.memref_slice %arg4[%add3A, %dma_wait3A] : memref<32x10112xf32, #tpu.memory_space<hbm>> -> memref<1x10112xf32, #tpu.memory_space<hbm>>
      %dma_wait3A_15 = tpu.memref_squeeze %dma_wait3A_14 : memref<1x10112xf32, #tpu.memory_space<hbm>> -> memref<10112xf32, #tpu.memory_space<hbm>>
      %dma_wait3A_16 = arith.constant 0 : i32
      %dma_wait3A_17 = tpu.memref_slice %arg4[%add3A, %dma_wait3A_16] : memref<32x10112xf32, #tpu.memory_space<hbm>> -> memref<1x10112xf32, #tpu.memory_space<hbm>>
      %dma_wait3A_18 = tpu.memref_squeeze %dma_wait3A_17 : memref<1x10112xf32, #tpu.memory_space<hbm>> -> memref<10112xf32, #tpu.memory_space<hbm>>
      tpu.wait_dma2 semaphore(%run_scoped3A : memref<!tpu.dma_semaphore, #tpu.memory_space<semaphore_mem>>) src(%arg6 : memref<10112xf32, #tpu.memory_space<vmem>>) dst(%dma_wait3A_18 : memref<10112xf32, #tpu.memory_space<hbm>>)
      tpu.yield
    }) : () -> ()
    return
  }
}

#map = affine_map<(d0, d1) -> (0, 0, 0)>
#map1 = affine_map<(d0, d1) -> (0, 0)>
module attributes {stable_mosaic.version = 14 : i64} {
  func.func @_agg_kernel(%arg0: i32, %arg1: i32, %arg2: memref<64x40x128xi32, #tpu.memory_space<hbm>>, %arg3: memref<32x40x128xi32, #tpu.memory_space<hbm>>, %arg4: memref<20000x128xf32, #tpu.memory_space<hbm>>, %arg5: memref<632x128xf32, #tpu.memory_space<hbm>>, %arg6: memref<20000x128xf32, #tpu.memory_space<hbm>>, %arg7: memref<40x128xi32, #tpu.memory_space<vmem>>, %arg8: memref<40x128xi32, #tpu.memory_space<vmem>>, %arg9: memref<128x128xf32, #tpu.memory_space<vmem>>, %arg10: memref<128x128xf32, #tpu.memory_space<vmem>>, %arg11: memref<!tpu.dma_semaphore, #tpu.memory_space<semaphore_mem>>, %arg12: memref<!tpu.dma_semaphore, #tpu.memory_space<semaphore_mem>>, %arg13: memref<10112x128xf32, #tpu.memory_space<vmem_shared>>) attributes {dimension_semantics = [#tpu.dimension_semantics<core_parallel>, #tpu.dimension_semantics<subcore_parallel>], iteration_bounds = array<i64: 2, 16>, scalar_prefetch = 0 : i64, scratch_operands = 7 : i64, tpu.core_type = #tpu.core_type<sc_vector_subcore>, window_params = [{transform_indices = #map}, {transform_indices = #map}, {transform_indices = #map1}, {transform_indices = #map1}, {transform_indices = #map1}]} {
    %mul3A = arith.constant 632 : i32
    %mul3A_0 = arith.muli %arg1, %mul3A : i32
    %dma_start3A = arith.constant 0 : i32
    %dma_start3A_1 = tpu.memref_slice %arg13[%mul3A_0, %dma_start3A] : memref<10112x128xf32, #tpu.memory_space<vmem_shared>> -> memref<632x128xf32, #tpu.memory_space<vmem_shared>>
    tpu.enqueue_dma source(%arg5 : memref<632x128xf32, #tpu.memory_space<hbm>>) target(%dma_start3A_1 : memref<632x128xf32, #tpu.memory_space<vmem_shared>>) target_semaphore(%arg11 : memref<!tpu.dma_semaphore, #tpu.memory_space<semaphore_mem>>)
    %mul3A_2 = arith.constant 16 : i32
    %mul3A_3 = arith.muli %arg0, %mul3A_2 : i32
    %add3A = arith.addi %mul3A_3, %arg1 : i32
    %mul3A_4 = arith.constant 2 : i32
    %mul3A_5 = arith.muli %add3A, %mul3A_4 : i32
    "tpu.region"() ({
      %run_scoped3A = tpu.sem_alloc : memref<!tpu.dma_semaphore, #tpu.memory_space<semaphore_mem>>
      %dma_start3A_68 = arith.constant 0 : i32
      %dma_start3A_69 = arith.constant 0 : i32
      %dma_start3A_70 = tpu.memref_slice %arg2[%mul3A_5, %dma_start3A_68, %dma_start3A_69] : memref<64x40x128xi32, #tpu.memory_space<hbm>> -> memref<1x40x128xi32, #tpu.memory_space<hbm>>
      %dma_start3A_71 = tpu.memref_squeeze %dma_start3A_70 : memref<1x40x128xi32, #tpu.memory_space<hbm>> -> memref<40x128xi32, #tpu.memory_space<hbm>>
      %dma_start3A_72 = arith.constant 0 : i32
      %dma_start3A_73 = arith.constant 0 : i32
      %dma_start3A_74 = tpu.memref_slice %arg2[%mul3A_5, %dma_start3A_72, %dma_start3A_73] : memref<64x40x128xi32, #tpu.memory_space<hbm>> -> memref<1x40x128xi32, #tpu.memory_space<hbm>>
      %dma_start3A_75 = tpu.memref_squeeze %dma_start3A_74 : memref<1x40x128xi32, #tpu.memory_space<hbm>> -> memref<40x128xi32, #tpu.memory_space<hbm>>
      tpu.enqueue_dma source(%dma_start3A_75 : memref<40x128xi32, #tpu.memory_space<hbm>>) target(%arg7 : memref<40x128xi32, #tpu.memory_space<vmem>>) target_semaphore(%run_scoped3A : memref<!tpu.dma_semaphore, #tpu.memory_space<semaphore_mem>>)
      %dma_wait3A_76 = arith.constant 0 : i32
      %dma_wait3A_77 = arith.constant 0 : i32
      %dma_wait3A_78 = tpu.memref_slice %arg2[%mul3A_5, %dma_wait3A_76, %dma_wait3A_77] : memref<64x40x128xi32, #tpu.memory_space<hbm>> -> memref<1x40x128xi32, #tpu.memory_space<hbm>>
      %dma_wait3A_79 = tpu.memref_squeeze %dma_wait3A_78 : memref<1x40x128xi32, #tpu.memory_space<hbm>> -> memref<40x128xi32, #tpu.memory_space<hbm>>
      %dma_wait3A_80 = arith.constant 0 : i32
      %dma_wait3A_81 = arith.constant 0 : i32
      %dma_wait3A_82 = tpu.memref_slice %arg2[%mul3A_5, %dma_wait3A_80, %dma_wait3A_81] : memref<64x40x128xi32, #tpu.memory_space<hbm>> -> memref<1x40x128xi32, #tpu.memory_space<hbm>>
      %dma_wait3A_83 = tpu.memref_squeeze %dma_wait3A_82 : memref<1x40x128xi32, #tpu.memory_space<hbm>> -> memref<40x128xi32, #tpu.memory_space<hbm>>
      tpu.wait_dma2 semaphore(%run_scoped3A : memref<!tpu.dma_semaphore, #tpu.memory_space<semaphore_mem>>) src(%dma_wait3A_83 : memref<40x128xi32, #tpu.memory_space<hbm>>) dst(%arg7 : memref<40x128xi32, #tpu.memory_space<vmem>>)
      tpu.yield
    }) : () -> ()
    %mul3A_6 = arith.constant 2 : i32
    %mul3A_7 = arith.muli %arg1, %mul3A_6 : i32
    "tpu.region"() ({
      %run_scoped3A = tpu.sem_alloc : memref<!tpu.dma_semaphore, #tpu.memory_space<semaphore_mem>>
      %dma_start3A_68 = arith.constant 0 : i32
      %dma_start3A_69 = arith.constant 0 : i32
      %dma_start3A_70 = tpu.memref_slice %arg3[%mul3A_7, %dma_start3A_68, %dma_start3A_69] : memref<32x40x128xi32, #tpu.memory_space<hbm>> -> memref<1x40x128xi32, #tpu.memory_space<hbm>>
      %dma_start3A_71 = tpu.memref_squeeze %dma_start3A_70 : memref<1x40x128xi32, #tpu.memory_space<hbm>> -> memref<40x128xi32, #tpu.memory_space<hbm>>
      %dma_start3A_72 = arith.constant 0 : i32
      %dma_start3A_73 = arith.constant 0 : i32
      %dma_start3A_74 = tpu.memref_slice %arg3[%mul3A_7, %dma_start3A_72, %dma_start3A_73] : memref<32x40x128xi32, #tpu.memory_space<hbm>> -> memref<1x40x128xi32, #tpu.memory_space<hbm>>
      %dma_start3A_75 = tpu.memref_squeeze %dma_start3A_74 : memref<1x40x128xi32, #tpu.memory_space<hbm>> -> memref<40x128xi32, #tpu.memory_space<hbm>>
      tpu.enqueue_dma source(%dma_start3A_75 : memref<40x128xi32, #tpu.memory_space<hbm>>) target(%arg8 : memref<40x128xi32, #tpu.memory_space<vmem>>) target_semaphore(%run_scoped3A : memref<!tpu.dma_semaphore, #tpu.memory_space<semaphore_mem>>)
      %dma_wait3A_76 = arith.constant 0 : i32
      %dma_wait3A_77 = arith.constant 0 : i32
      %dma_wait3A_78 = tpu.memref_slice %arg3[%mul3A_7, %dma_wait3A_76, %dma_wait3A_77] : memref<32x40x128xi32, #tpu.memory_space<hbm>> -> memref<1x40x128xi32, #tpu.memory_space<hbm>>
      %dma_wait3A_79 = tpu.memref_squeeze %dma_wait3A_78 : memref<1x40x128xi32, #tpu.memory_space<hbm>> -> memref<40x128xi32, #tpu.memory_space<hbm>>
      %dma_wait3A_80 = arith.constant 0 : i32
      %dma_wait3A_81 = arith.constant 0 : i32
      %dma_wait3A_82 = tpu.memref_slice %arg3[%mul3A_7, %dma_wait3A_80, %dma_wait3A_81] : memref<32x40x128xi32, #tpu.memory_space<hbm>> -> memref<1x40x128xi32, #tpu.memory_space<hbm>>
      %dma_wait3A_83 = tpu.memref_squeeze %dma_wait3A_82 : memref<1x40x128xi32, #tpu.memory_space<hbm>> -> memref<40x128xi32, #tpu.memory_space<hbm>>
      tpu.wait_dma2 semaphore(%run_scoped3A : memref<!tpu.dma_semaphore, #tpu.memory_space<semaphore_mem>>) src(%dma_wait3A_83 : memref<40x128xi32, #tpu.memory_space<hbm>>) dst(%arg8 : memref<40x128xi32, #tpu.memory_space<vmem>>)
      tpu.yield
    }) : () -> ()
    %dma_wait3A = arith.constant 0 : i32
    %dma_wait3A_8 = tpu.memref_slice %arg13[%mul3A_0, %dma_wait3A] : memref<10112x128xf32, #tpu.memory_space<vmem_shared>> -> memref<632x128xf32, #tpu.memory_space<vmem_shared>>
    tpu.wait_dma2 semaphore(%arg11 : memref<!tpu.dma_semaphore, #tpu.memory_space<semaphore_mem>>) src(%arg5 : memref<632x128xf32, #tpu.memory_space<hbm>>) dst(%dma_wait3A_8 : memref<632x128xf32, #tpu.memory_space<vmem_shared>>)
    %barrier3A = arith.constant 0 : index
    tpu.barrier barrier_id(%barrier3A)
    %dma_start3A_9 = arith.constant 0 : i32
    %dma_start3A_10 = arith.constant 0 : i32
    %dma_start3A_11 = tpu.memref_slice %arg7[%dma_start3A_9, %dma_start3A_10] : memref<40x128xi32, #tpu.memory_space<vmem>> -> memref<1x128xi32, #tpu.memory_space<vmem>>
    %dma_start3A_12 = tpu.memref_squeeze %dma_start3A_11 : memref<1x128xi32, #tpu.memory_space<vmem>> -> memref<128xi32, #tpu.memory_space<vmem>>
    %dma_start3A_13 = arith.constant 0 : i32
    %dma_start3A_14 = arith.constant 0 : i32
    %dma_start3A_15 = tpu.memref_slice %arg4[%dma_start3A_13, %dma_start3A_14] : memref<20000x128xf32, #tpu.memory_space<hbm>> -> memref<20000x128xf32, #tpu.memory_space<hbm>>
    tpu.enqueue_indirect_dma source(%dma_start3A_15 : memref<20000x128xf32, #tpu.memory_space<hbm>>) target(%arg9 : memref<128x128xf32, #tpu.memory_space<vmem>>) offsets(%dma_start3A_12 : memref<128xi32, #tpu.memory_space<vmem>>) semaphore(%arg11 : memref<!tpu.dma_semaphore, #tpu.memory_space<semaphore_mem>>)
    %dma_start3A_16 = arith.constant 1 : i32
    %dma_start3A_17 = arith.constant 0 : i32
    %dma_start3A_18 = tpu.memref_slice %arg7[%dma_start3A_16, %dma_start3A_17] : memref<40x128xi32, #tpu.memory_space<vmem>> -> memref<1x128xi32, #tpu.memory_space<vmem>>
    %dma_start3A_19 = tpu.memref_squeeze %dma_start3A_18 : memref<1x128xi32, #tpu.memory_space<vmem>> -> memref<128xi32, #tpu.memory_space<vmem>>
    %dma_start3A_20 = arith.constant 0 : i32
    %dma_start3A_21 = arith.constant 0 : i32
    %dma_start3A_22 = tpu.memref_slice %arg4[%dma_start3A_20, %dma_start3A_21] : memref<20000x128xf32, #tpu.memory_space<hbm>> -> memref<20000x128xf32, #tpu.memory_space<hbm>>
    tpu.enqueue_indirect_dma source(%dma_start3A_22 : memref<20000x128xf32, #tpu.memory_space<hbm>>) target(%arg10 : memref<128x128xf32, #tpu.memory_space<vmem>>) offsets(%dma_start3A_19 : memref<128xi32, #tpu.memory_space<vmem>>) semaphore(%arg12 : memref<!tpu.dma_semaphore, #tpu.memory_space<semaphore_mem>>)
    %scan3A = arith.constant 0 : i32
    %scan3A_23 = arith.constant 0 : i32
    %scan3A_24 = arith.constant 20 : i32
    %scan3A_25 = arith.addi %scan3A_23, %scan3A_24 : i32
    %scan3A_26 = arith.constant 1 : i32
    scf.for %scan3A_68 = %scan3A_23 to %scan3A_25 step %scan3A_26  : i32 {
      %mul3A_69 = arith.constant 2 : i32
      %mul3A_70 = arith.muli %scan3A_68, %mul3A_69 : i32
      %add3A_71 = arith.constant 0 : i32
      %add3A_72 = arith.addi %mul3A_70, %add3A_71 : i32
      %dma_wait3A_73 = arith.constant 0 : i32
      %dma_wait3A_74 = tpu.memref_slice %arg7[%add3A_72, %dma_wait3A_73] : memref<40x128xi32, #tpu.memory_space<vmem>> -> memref<1x128xi32, #tpu.memory_space<vmem>>
      %dma_wait3A_75 = tpu.memref_squeeze %dma_wait3A_74 : memref<1x128xi32, #tpu.memory_space<vmem>> -> memref<128xi32, #tpu.memory_space<vmem>>
      %dma_wait3A_76 = arith.constant 0 : i32
      %dma_wait3A_77 = arith.constant 0 : i32
      %dma_wait3A_78 = tpu.memref_slice %arg4[%dma_wait3A_76, %dma_wait3A_77] : memref<20000x128xf32, #tpu.memory_space<hbm>> -> memref<20000x128xf32, #tpu.memory_space<hbm>>
      tpu.wait_indirect_dma semaphore(%arg11 : memref<!tpu.dma_semaphore, #tpu.memory_space<semaphore_mem>>) src(%dma_wait3A_78 : memref<20000x128xf32, #tpu.memory_space<hbm>>) dst(%arg9 : memref<128x128xf32, #tpu.memory_space<vmem>>)
      "tpu.region"() ({
        %run_scoped3A = tpu.sem_alloc : memref<!tpu.dma_semaphore, #tpu.memory_space<semaphore_mem>>
        %dma_start3A_99 = arith.constant 0 : i32
        %dma_start3A_100 = tpu.memref_slice %arg8[%add3A_72, %dma_start3A_99] : memref<40x128xi32, #tpu.memory_space<vmem>> -> memref<1x128xi32, #tpu.memory_space<vmem>>
        %dma_start3A_101 = tpu.memref_squeeze %dma_start3A_100 : memref<1x128xi32, #tpu.memory_space<vmem>> -> memref<128xi32, #tpu.memory_space<vmem>>
        %dma_start3A_102 = arith.constant 0 : i32
        %dma_start3A_103 = arith.constant 0 : i32
        %dma_start3A_104 = tpu.memref_slice %arg13[%dma_start3A_102, %dma_start3A_103] : memref<10112x128xf32, #tpu.memory_space<vmem_shared>> -> memref<10112x128xf32, #tpu.memory_space<vmem_shared>>
        tpu.enqueue_indirect_dma source(%arg9 : memref<128x128xf32, #tpu.memory_space<vmem>>) target(%dma_start3A_104 : memref<10112x128xf32, #tpu.memory_space<vmem_shared>>) offsets(%dma_start3A_101 : memref<128xi32, #tpu.memory_space<vmem>>) semaphore(%run_scoped3A : memref<!tpu.dma_semaphore, #tpu.memory_space<semaphore_mem>>) {add = true}
        %dma_wait3A_105 = arith.constant 0 : i32
        %dma_wait3A_106 = tpu.memref_slice %arg8[%add3A_72, %dma_wait3A_105] : memref<40x128xi32, #tpu.memory_space<vmem>> -> memref<1x128xi32, #tpu.memory_space<vmem>>
        %dma_wait3A_107 = tpu.memref_squeeze %dma_wait3A_106 : memref<1x128xi32, #tpu.memory_space<vmem>> -> memref<128xi32, #tpu.memory_space<vmem>>
        %dma_wait3A_108 = arith.constant 0 : i32
        %dma_wait3A_109 = arith.constant 0 : i32
        %dma_wait3A_110 = tpu.memref_slice %arg13[%dma_wait3A_108, %dma_wait3A_109] : memref<10112x128xf32, #tpu.memory_space<vmem_shared>> -> memref<10112x128xf32, #tpu.memory_space<vmem_shared>>
        tpu.wait_indirect_dma semaphore(%run_scoped3A : memref<!tpu.dma_semaphore, #tpu.memory_space<semaphore_mem>>) src(%arg9 : memref<128x128xf32, #tpu.memory_space<vmem>>) dst(%dma_wait3A_110 : memref<10112x128xf32, #tpu.memory_space<vmem_shared>>)
        tpu.yield
      }) : () -> ()
      %lt3A_79 = arith.constant 19 : i32
      %lt3A_80 = arith.cmpi slt, %scan3A_68, %lt3A_79 : i32
      %convert_element_type3A_81 = arith.extui %lt3A_80 : i1 to i32
      %cond3A_82 = arith.constant 0 : i32
      %cond3A_83 = arith.cmpi ne, %convert_element_type3A_81, %cond3A_82 : i32
      scf.if %cond3A_83 {
        %add3A_99 = arith.constant 2 : i32
        %add3A_100 = arith.addi %add3A_72, %add3A_99 : i32
        %dma_start3A_101 = arith.constant 0 : i32
        %dma_start3A_102 = tpu.memref_slice %arg7[%add3A_100, %dma_start3A_101] : memref<40x128xi32, #tpu.memory_space<vmem>> -> memref<1x128xi32, #tpu.memory_space<vmem>>
        %dma_start3A_103 = tpu.memref_squeeze %dma_start3A_102 : memref<1x128xi32, #tpu.memory_space<vmem>> -> memref<128xi32, #tpu.memory_space<vmem>>
        %dma_start3A_104 = arith.constant 0 : i32
        %dma_start3A_105 = arith.constant 0 : i32
        %dma_start3A_106 = tpu.memref_slice %arg4[%dma_start3A_104, %dma_start3A_105] : memref<20000x128xf32, #tpu.memory_space<hbm>> -> memref<20000x128xf32, #tpu.memory_space<hbm>>
        tpu.enqueue_indirect_dma source(%dma_start3A_106 : memref<20000x128xf32, #tpu.memory_space<hbm>>) target(%arg9 : memref<128x128xf32, #tpu.memory_space<vmem>>) offsets(%dma_start3A_103 : memref<128xi32, #tpu.memory_space<vmem>>) semaphore(%arg11 : memref<!tpu.dma_semaphore, #tpu.memory_space<semaphore_mem>>)
      } else {
      }
      %mul3A_84 = arith.constant 2 : i32
      %mul3A_85 = arith.muli %scan3A_68, %mul3A_84 : i32
      %add3A_86 = arith.constant 1 : i32
      %add3A_87 = arith.addi %mul3A_85, %add3A_86 : i32
      %dma_wait3A_88 = arith.constant 0 : i32
      %dma_wait3A_89 = tpu.memref_slice %arg7[%add3A_87, %dma_wait3A_88] : memref<40x128xi32, #tpu.memory_space<vmem>> -> memref<1x128xi32, #tpu.memory_space<vmem>>
      %dma_wait3A_90 = tpu.memref_squeeze %dma_wait3A_89 : memref<1x128xi32, #tpu.memory_space<vmem>> -> memref<128xi32, #tpu.memory_space<vmem>>
      %dma_wait3A_91 = arith.constant 0 : i32
      %dma_wait3A_92 = arith.constant 0 : i32
      %dma_wait3A_93 = tpu.memref_slice %arg4[%dma_wait3A_91, %dma_wait3A_92] : memref<20000x128xf32, #tpu.memory_space<hbm>> -> memref<20000x128xf32, #tpu.memory_space<hbm>>
      tpu.wait_indirect_dma semaphore(%arg12 : memref<!tpu.dma_semaphore, #tpu.memory_space<semaphore_mem>>) src(%dma_wait3A_93 : memref<20000x128xf32, #tpu.memory_space<hbm>>) dst(%arg10 : memref<128x128xf32, #tpu.memory_space<vmem>>)
      "tpu.region"() ({
        %run_scoped3A = tpu.sem_alloc : memref<!tpu.dma_semaphore, #tpu.memory_space<semaphore_mem>>
        %dma_start3A_99 = arith.constant 0 : i32
        %dma_start3A_100 = tpu.memref_slice %arg8[%add3A_87, %dma_start3A_99] : memref<40x128xi32, #tpu.memory_space<vmem>> -> memref<1x128xi32, #tpu.memory_space<vmem>>
        %dma_start3A_101 = tpu.memref_squeeze %dma_start3A_100 : memref<1x128xi32, #tpu.memory_space<vmem>> -> memref<128xi32, #tpu.memory_space<vmem>>
        %dma_start3A_102 = arith.constant 0 : i32
        %dma_start3A_103 = arith.constant 0 : i32
        %dma_start3A_104 = tpu.memref_slice %arg13[%dma_start3A_102, %dma_start3A_103] : memref<10112x128xf32, #tpu.memory_space<vmem_shared>> -> memref<10112x128xf32, #tpu.memory_space<vmem_shared>>
        tpu.enqueue_indirect_dma source(%arg10 : memref<128x128xf32, #tpu.memory_space<vmem>>) target(%dma_start3A_104 : memref<10112x128xf32, #tpu.memory_space<vmem_shared>>) offsets(%dma_start3A_101 : memref<128xi32, #tpu.memory_space<vmem>>) semaphore(%run_scoped3A : memref<!tpu.dma_semaphore, #tpu.memory_space<semaphore_mem>>) {add = true}
        %dma_wait3A_105 = arith.constant 0 : i32
        %dma_wait3A_106 = tpu.memref_slice %arg8[%add3A_87, %dma_wait3A_105] : memref<40x128xi32, #tpu.memory_space<vmem>> -> memref<1x128xi32, #tpu.memory_space<vmem>>
        %dma_wait3A_107 = tpu.memref_squeeze %dma_wait3A_106 : memref<1x128xi32, #tpu.memory_space<vmem>> -> memref<128xi32, #tpu.memory_space<vmem>>
        %dma_wait3A_108 = arith.constant 0 : i32
        %dma_wait3A_109 = arith.constant 0 : i32
        %dma_wait3A_110 = tpu.memref_slice %arg13[%dma_wait3A_108, %dma_wait3A_109] : memref<10112x128xf32, #tpu.memory_space<vmem_shared>> -> memref<10112x128xf32, #tpu.memory_space<vmem_shared>>
        tpu.wait_indirect_dma semaphore(%run_scoped3A : memref<!tpu.dma_semaphore, #tpu.memory_space<semaphore_mem>>) src(%arg10 : memref<128x128xf32, #tpu.memory_space<vmem>>) dst(%dma_wait3A_110 : memref<10112x128xf32, #tpu.memory_space<vmem_shared>>)
        tpu.yield
      }) : () -> ()
      %lt3A_94 = arith.constant 19 : i32
      %lt3A_95 = arith.cmpi slt, %scan3A_68, %lt3A_94 : i32
      %convert_element_type3A_96 = arith.extui %lt3A_95 : i1 to i32
      %cond3A_97 = arith.constant 0 : i32
      %cond3A_98 = arith.cmpi ne, %convert_element_type3A_96, %cond3A_97 : i32
      scf.if %cond3A_98 {
        %add3A_99 = arith.constant 2 : i32
        %add3A_100 = arith.addi %add3A_87, %add3A_99 : i32
        %dma_start3A_101 = arith.constant 0 : i32
        %dma_start3A_102 = tpu.memref_slice %arg7[%add3A_100, %dma_start3A_101] : memref<40x128xi32, #tpu.memory_space<vmem>> -> memref<1x128xi32, #tpu.memory_space<vmem>>
        %dma_start3A_103 = tpu.memref_squeeze %dma_start3A_102 : memref<1x128xi32, #tpu.memory_space<vmem>> -> memref<128xi32, #tpu.memory_space<vmem>>
        %dma_start3A_104 = arith.constant 0 : i32
        %dma_start3A_105 = arith.constant 0 : i32
        %dma_start3A_106 = tpu.memref_slice %arg4[%dma_start3A_104, %dma_start3A_105] : memref<20000x128xf32, #tpu.memory_space<hbm>> -> memref<20000x128xf32, #tpu.memory_space<hbm>>
        tpu.enqueue_indirect_dma source(%dma_start3A_106 : memref<20000x128xf32, #tpu.memory_space<hbm>>) target(%arg10 : memref<128x128xf32, #tpu.memory_space<vmem>>) offsets(%dma_start3A_103 : memref<128xi32, #tpu.memory_space<vmem>>) semaphore(%arg12 : memref<!tpu.dma_semaphore, #tpu.memory_space<semaphore_mem>>)
      } else {
      }
    }
    %scan3A_27 = arith.constant 20 : i32
    %mul3A_28 = arith.constant 16 : i32
    %mul3A_29 = arith.muli %arg0, %mul3A_28 : i32
    %add3A_30 = arith.addi %mul3A_29, %arg1 : i32
    %mul3A_31 = arith.constant 2 : i32
    %mul3A_32 = arith.muli %add3A_30, %mul3A_31 : i32
    %add3A_33 = arith.constant 1 : i32
    %add3A_34 = arith.addi %mul3A_32, %add3A_33 : i32
    "tpu.region"() ({
      %run_scoped3A = tpu.sem_alloc : memref<!tpu.dma_semaphore, #tpu.memory_space<semaphore_mem>>
      %dma_start3A_68 = arith.constant 0 : i32
      %dma_start3A_69 = arith.constant 0 : i32
      %dma_start3A_70 = tpu.memref_slice %arg2[%add3A_34, %dma_start3A_68, %dma_start3A_69] : memref<64x40x128xi32, #tpu.memory_space<hbm>> -> memref<1x40x128xi32, #tpu.memory_space<hbm>>
      %dma_start3A_71 = tpu.memref_squeeze %dma_start3A_70 : memref<1x40x128xi32, #tpu.memory_space<hbm>> -> memref<40x128xi32, #tpu.memory_space<hbm>>
      %dma_start3A_72 = arith.constant 0 : i32
      %dma_start3A_73 = arith.constant 0 : i32
      %dma_start3A_74 = tpu.memref_slice %arg2[%add3A_34, %dma_start3A_72, %dma_start3A_73] : memref<64x40x128xi32, #tpu.memory_space<hbm>> -> memref<1x40x128xi32, #tpu.memory_space<hbm>>
      %dma_start3A_75 = tpu.memref_squeeze %dma_start3A_74 : memref<1x40x128xi32, #tpu.memory_space<hbm>> -> memref<40x128xi32, #tpu.memory_space<hbm>>
      tpu.enqueue_dma source(%dma_start3A_75 : memref<40x128xi32, #tpu.memory_space<hbm>>) target(%arg7 : memref<40x128xi32, #tpu.memory_space<vmem>>) target_semaphore(%run_scoped3A : memref<!tpu.dma_semaphore, #tpu.memory_space<semaphore_mem>>)
      %dma_wait3A_76 = arith.constant 0 : i32
      %dma_wait3A_77 = arith.constant 0 : i32
      %dma_wait3A_78 = tpu.memref_slice %arg2[%add3A_34, %dma_wait3A_76, %dma_wait3A_77] : memref<64x40x128xi32, #tpu.memory_space<hbm>> -> memref<1x40x128xi32, #tpu.memory_space<hbm>>
      %dma_wait3A_79 = tpu.memref_squeeze %dma_wait3A_78 : memref<1x40x128xi32, #tpu.memory_space<hbm>> -> memref<40x128xi32, #tpu.memory_space<hbm>>
      %dma_wait3A_80 = arith.constant 0 : i32
      %dma_wait3A_81 = arith.constant 0 : i32
      %dma_wait3A_82 = tpu.memref_slice %arg2[%add3A_34, %dma_wait3A_80, %dma_wait3A_81] : memref<64x40x128xi32, #tpu.memory_space<hbm>> -> memref<1x40x128xi32, #tpu.memory_space<hbm>>
      %dma_wait3A_83 = tpu.memref_squeeze %dma_wait3A_82 : memref<1x40x128xi32, #tpu.memory_space<hbm>> -> memref<40x128xi32, #tpu.memory_space<hbm>>
      tpu.wait_dma2 semaphore(%run_scoped3A : memref<!tpu.dma_semaphore, #tpu.memory_space<semaphore_mem>>) src(%dma_wait3A_83 : memref<40x128xi32, #tpu.memory_space<hbm>>) dst(%arg7 : memref<40x128xi32, #tpu.memory_space<vmem>>)
      tpu.yield
    }) : () -> ()
    %mul3A_35 = arith.constant 2 : i32
    %mul3A_36 = arith.muli %arg1, %mul3A_35 : i32
    %add3A_37 = arith.constant 1 : i32
    %add3A_38 = arith.addi %mul3A_36, %add3A_37 : i32
    "tpu.region"() ({
      %run_scoped3A = tpu.sem_alloc : memref<!tpu.dma_semaphore, #tpu.memory_space<semaphore_mem>>
      %dma_start3A_68 = arith.constant 0 : i32
      %dma_start3A_69 = arith.constant 0 : i32
      %dma_start3A_70 = tpu.memref_slice %arg3[%add3A_38, %dma_start3A_68, %dma_start3A_69] : memref<32x40x128xi32, #tpu.memory_space<hbm>> -> memref<1x40x128xi32, #tpu.memory_space<hbm>>
      %dma_start3A_71 = tpu.memref_squeeze %dma_start3A_70 : memref<1x40x128xi32, #tpu.memory_space<hbm>> -> memref<40x128xi32, #tpu.memory_space<hbm>>
      %dma_start3A_72 = arith.constant 0 : i32
      %dma_start3A_73 = arith.constant 0 : i32
      %dma_start3A_74 = tpu.memref_slice %arg3[%add3A_38, %dma_start3A_72, %dma_start3A_73] : memref<32x40x128xi32, #tpu.memory_space<hbm>> -> memref<1x40x128xi32, #tpu.memory_space<hbm>>
      %dma_start3A_75 = tpu.memref_squeeze %dma_start3A_74 : memref<1x40x128xi32, #tpu.memory_space<hbm>> -> memref<40x128xi32, #tpu.memory_space<hbm>>
      tpu.enqueue_dma source(%dma_start3A_75 : memref<40x128xi32, #tpu.memory_space<hbm>>) target(%arg8 : memref<40x128xi32, #tpu.memory_space<vmem>>) target_semaphore(%run_scoped3A : memref<!tpu.dma_semaphore, #tpu.memory_space<semaphore_mem>>)
      %dma_wait3A_76 = arith.constant 0 : i32
      %dma_wait3A_77 = arith.constant 0 : i32
      %dma_wait3A_78 = tpu.memref_slice %arg3[%add3A_38, %dma_wait3A_76, %dma_wait3A_77] : memref<32x40x128xi32, #tpu.memory_space<hbm>> -> memref<1x40x128xi32, #tpu.memory_space<hbm>>
      %dma_wait3A_79 = tpu.memref_squeeze %dma_wait3A_78 : memref<1x40x128xi32, #tpu.memory_space<hbm>> -> memref<40x128xi32, #tpu.memory_space<hbm>>
      %dma_wait3A_80 = arith.constant 0 : i32
      %dma_wait3A_81 = arith.constant 0 : i32
      %dma_wait3A_82 = tpu.memref_slice %arg3[%add3A_38, %dma_wait3A_80, %dma_wait3A_81] : memref<32x40x128xi32, #tpu.memory_space<hbm>> -> memref<1x40x128xi32, #tpu.memory_space<hbm>>
      %dma_wait3A_83 = tpu.memref_squeeze %dma_wait3A_82 : memref<1x40x128xi32, #tpu.memory_space<hbm>> -> memref<40x128xi32, #tpu.memory_space<hbm>>
      tpu.wait_dma2 semaphore(%run_scoped3A : memref<!tpu.dma_semaphore, #tpu.memory_space<semaphore_mem>>) src(%dma_wait3A_83 : memref<40x128xi32, #tpu.memory_space<hbm>>) dst(%arg8 : memref<40x128xi32, #tpu.memory_space<vmem>>)
      tpu.yield
    }) : () -> ()
    %dma_start3A_39 = arith.constant 0 : i32
    %dma_start3A_40 = arith.constant 0 : i32
    %dma_start3A_41 = tpu.memref_slice %arg7[%dma_start3A_39, %dma_start3A_40] : memref<40x128xi32, #tpu.memory_space<vmem>> -> memref<1x128xi32, #tpu.memory_space<vmem>>
    %dma_start3A_42 = tpu.memref_squeeze %dma_start3A_41 : memref<1x128xi32, #tpu.memory_space<vmem>> -> memref<128xi32, #tpu.memory_space<vmem>>
    %dma_start3A_43 = arith.constant 0 : i32
    %dma_start3A_44 = arith.constant 0 : i32
    %dma_start3A_45 = tpu.memref_slice %arg4[%dma_start3A_43, %dma_start3A_44] : memref<20000x128xf32, #tpu.memory_space<hbm>> -> memref<20000x128xf32, #tpu.memory_space<hbm>>
    tpu.enqueue_indirect_dma source(%dma_start3A_45 : memref<20000x128xf32, #tpu.memory_space<hbm>>) target(%arg9 : memref<128x128xf32, #tpu.memory_space<vmem>>) offsets(%dma_start3A_42 : memref<128xi32, #tpu.memory_space<vmem>>) semaphore(%arg11 : memref<!tpu.dma_semaphore, #tpu.memory_space<semaphore_mem>>)
    %dma_start3A_46 = arith.constant 1 : i32
    %dma_start3A_47 = arith.constant 0 : i32
    %dma_start3A_48 = tpu.memref_slice %arg7[%dma_start3A_46, %dma_start3A_47] : memref<40x128xi32, #tpu.memory_space<vmem>> -> memref<1x128xi32, #tpu.memory_space<vmem>>
    %dma_start3A_49 = tpu.memref_squeeze %dma_start3A_48 : memref<1x128xi32, #tpu.memory_space<vmem>> -> memref<128xi32, #tpu.memory_space<vmem>>
    %dma_start3A_50 = arith.constant 0 : i32
    %dma_start3A_51 = arith.constant 0 : i32
    %dma_start3A_52 = tpu.memref_slice %arg4[%dma_start3A_50, %dma_start3A_51] : memref<20000x128xf32, #tpu.memory_space<hbm>> -> memref<20000x128xf32, #tpu.memory_space<hbm>>
    tpu.enqueue_indirect_dma source(%dma_start3A_52 : memref<20000x128xf32, #tpu.memory_space<hbm>>) target(%arg10 : memref<128x128xf32, #tpu.memory_space<vmem>>) offsets(%dma_start3A_49 : memref<128xi32, #tpu.memory_space<vmem>>) semaphore(%arg12 : memref<!tpu.dma_semaphore, #tpu.memory_space<semaphore_mem>>)
    %scan3A_53 = arith.constant 0 : i32
    %scan3A_54 = arith.constant 0 : i32
    %scan3A_55 = arith.constant 20 : i32
    %scan3A_56 = arith.addi %scan3A_54, %scan3A_55 : i32
    %scan3A_57 = arith.constant 1 : i32
    scf.for %scan3A_68 = %scan3A_54 to %scan3A_56 step %scan3A_57  : i32 {
      %mul3A_69 = arith.constant 2 : i32
      %mul3A_70 = arith.muli %scan3A_68, %mul3A_69 : i32
      %add3A_71 = arith.constant 0 : i32
      %add3A_72 = arith.addi %mul3A_70, %add3A_71 : i32
      %dma_wait3A_73 = arith.constant 0 : i32
      %dma_wait3A_74 = tpu.memref_slice %arg7[%add3A_72, %dma_wait3A_73] : memref<40x128xi32, #tpu.memory_space<vmem>> -> memref<1x128xi32, #tpu.memory_space<vmem>>
      %dma_wait3A_75 = tpu.memref_squeeze %dma_wait3A_74 : memref<1x128xi32, #tpu.memory_space<vmem>> -> memref<128xi32, #tpu.memory_space<vmem>>
      %dma_wait3A_76 = arith.constant 0 : i32
      %dma_wait3A_77 = arith.constant 0 : i32
      %dma_wait3A_78 = tpu.memref_slice %arg4[%dma_wait3A_76, %dma_wait3A_77] : memref<20000x128xf32, #tpu.memory_space<hbm>> -> memref<20000x128xf32, #tpu.memory_space<hbm>>
      tpu.wait_indirect_dma semaphore(%arg11 : memref<!tpu.dma_semaphore, #tpu.memory_space<semaphore_mem>>) src(%dma_wait3A_78 : memref<20000x128xf32, #tpu.memory_space<hbm>>) dst(%arg9 : memref<128x128xf32, #tpu.memory_space<vmem>>)
      "tpu.region"() ({
        %run_scoped3A = tpu.sem_alloc : memref<!tpu.dma_semaphore, #tpu.memory_space<semaphore_mem>>
        %dma_start3A_99 = arith.constant 0 : i32
        %dma_start3A_100 = tpu.memref_slice %arg8[%add3A_72, %dma_start3A_99] : memref<40x128xi32, #tpu.memory_space<vmem>> -> memref<1x128xi32, #tpu.memory_space<vmem>>
        %dma_start3A_101 = tpu.memref_squeeze %dma_start3A_100 : memref<1x128xi32, #tpu.memory_space<vmem>> -> memref<128xi32, #tpu.memory_space<vmem>>
        %dma_start3A_102 = arith.constant 0 : i32
        %dma_start3A_103 = arith.constant 0 : i32
        %dma_start3A_104 = tpu.memref_slice %arg13[%dma_start3A_102, %dma_start3A_103] : memref<10112x128xf32, #tpu.memory_space<vmem_shared>> -> memref<10112x128xf32, #tpu.memory_space<vmem_shared>>
        tpu.enqueue_indirect_dma source(%arg9 : memref<128x128xf32, #tpu.memory_space<vmem>>) target(%dma_start3A_104 : memref<10112x128xf32, #tpu.memory_space<vmem_shared>>) offsets(%dma_start3A_101 : memref<128xi32, #tpu.memory_space<vmem>>) semaphore(%run_scoped3A : memref<!tpu.dma_semaphore, #tpu.memory_space<semaphore_mem>>) {add = true}
        %dma_wait3A_105 = arith.constant 0 : i32
        %dma_wait3A_106 = tpu.memref_slice %arg8[%add3A_72, %dma_wait3A_105] : memref<40x128xi32, #tpu.memory_space<vmem>> -> memref<1x128xi32, #tpu.memory_space<vmem>>
        %dma_wait3A_107 = tpu.memref_squeeze %dma_wait3A_106 : memref<1x128xi32, #tpu.memory_space<vmem>> -> memref<128xi32, #tpu.memory_space<vmem>>
        %dma_wait3A_108 = arith.constant 0 : i32
        %dma_wait3A_109 = arith.constant 0 : i32
        %dma_wait3A_110 = tpu.memref_slice %arg13[%dma_wait3A_108, %dma_wait3A_109] : memref<10112x128xf32, #tpu.memory_space<vmem_shared>> -> memref<10112x128xf32, #tpu.memory_space<vmem_shared>>
        tpu.wait_indirect_dma semaphore(%run_scoped3A : memref<!tpu.dma_semaphore, #tpu.memory_space<semaphore_mem>>) src(%arg9 : memref<128x128xf32, #tpu.memory_space<vmem>>) dst(%dma_wait3A_110 : memref<10112x128xf32, #tpu.memory_space<vmem_shared>>)
        tpu.yield
      }) : () -> ()
      %lt3A_79 = arith.constant 19 : i32
      %lt3A_80 = arith.cmpi slt, %scan3A_68, %lt3A_79 : i32
      %convert_element_type3A_81 = arith.extui %lt3A_80 : i1 to i32
      %cond3A_82 = arith.constant 0 : i32
      %cond3A_83 = arith.cmpi ne, %convert_element_type3A_81, %cond3A_82 : i32
      scf.if %cond3A_83 {
        %add3A_99 = arith.constant 2 : i32
        %add3A_100 = arith.addi %add3A_72, %add3A_99 : i32
        %dma_start3A_101 = arith.constant 0 : i32
        %dma_start3A_102 = tpu.memref_slice %arg7[%add3A_100, %dma_start3A_101] : memref<40x128xi32, #tpu.memory_space<vmem>> -> memref<1x128xi32, #tpu.memory_space<vmem>>
        %dma_start3A_103 = tpu.memref_squeeze %dma_start3A_102 : memref<1x128xi32, #tpu.memory_space<vmem>> -> memref<128xi32, #tpu.memory_space<vmem>>
        %dma_start3A_104 = arith.constant 0 : i32
        %dma_start3A_105 = arith.constant 0 : i32
        %dma_start3A_106 = tpu.memref_slice %arg4[%dma_start3A_104, %dma_start3A_105] : memref<20000x128xf32, #tpu.memory_space<hbm>> -> memref<20000x128xf32, #tpu.memory_space<hbm>>
        tpu.enqueue_indirect_dma source(%dma_start3A_106 : memref<20000x128xf32, #tpu.memory_space<hbm>>) target(%arg9 : memref<128x128xf32, #tpu.memory_space<vmem>>) offsets(%dma_start3A_103 : memref<128xi32, #tpu.memory_space<vmem>>) semaphore(%arg11 : memref<!tpu.dma_semaphore, #tpu.memory_space<semaphore_mem>>)
      } else {
      }
      %mul3A_84 = arith.constant 2 : i32
      %mul3A_85 = arith.muli %scan3A_68, %mul3A_84 : i32
      %add3A_86 = arith.constant 1 : i32
      %add3A_87 = arith.addi %mul3A_85, %add3A_86 : i32
      %dma_wait3A_88 = arith.constant 0 : i32
      %dma_wait3A_89 = tpu.memref_slice %arg7[%add3A_87, %dma_wait3A_88] : memref<40x128xi32, #tpu.memory_space<vmem>> -> memref<1x128xi32, #tpu.memory_space<vmem>>
      %dma_wait3A_90 = tpu.memref_squeeze %dma_wait3A_89 : memref<1x128xi32, #tpu.memory_space<vmem>> -> memref<128xi32, #tpu.memory_space<vmem>>
      %dma_wait3A_91 = arith.constant 0 : i32
      %dma_wait3A_92 = arith.constant 0 : i32
      %dma_wait3A_93 = tpu.memref_slice %arg4[%dma_wait3A_91, %dma_wait3A_92] : memref<20000x128xf32, #tpu.memory_space<hbm>> -> memref<20000x128xf32, #tpu.memory_space<hbm>>
      tpu.wait_indirect_dma semaphore(%arg12 : memref<!tpu.dma_semaphore, #tpu.memory_space<semaphore_mem>>) src(%dma_wait3A_93 : memref<20000x128xf32, #tpu.memory_space<hbm>>) dst(%arg10 : memref<128x128xf32, #tpu.memory_space<vmem>>)
      "tpu.region"() ({
        %run_scoped3A = tpu.sem_alloc : memref<!tpu.dma_semaphore, #tpu.memory_space<semaphore_mem>>
        %dma_start3A_99 = arith.constant 0 : i32
        %dma_start3A_100 = tpu.memref_slice %arg8[%add3A_87, %dma_start3A_99] : memref<40x128xi32, #tpu.memory_space<vmem>> -> memref<1x128xi32, #tpu.memory_space<vmem>>
        %dma_start3A_101 = tpu.memref_squeeze %dma_start3A_100 : memref<1x128xi32, #tpu.memory_space<vmem>> -> memref<128xi32, #tpu.memory_space<vmem>>
        %dma_start3A_102 = arith.constant 0 : i32
        %dma_start3A_103 = arith.constant 0 : i32
        %dma_start3A_104 = tpu.memref_slice %arg13[%dma_start3A_102, %dma_start3A_103] : memref<10112x128xf32, #tpu.memory_space<vmem_shared>> -> memref<10112x128xf32, #tpu.memory_space<vmem_shared>>
        tpu.enqueue_indirect_dma source(%arg10 : memref<128x128xf32, #tpu.memory_space<vmem>>) target(%dma_start3A_104 : memref<10112x128xf32, #tpu.memory_space<vmem_shared>>) offsets(%dma_start3A_101 : memref<128xi32, #tpu.memory_space<vmem>>) semaphore(%run_scoped3A : memref<!tpu.dma_semaphore, #tpu.memory_space<semaphore_mem>>) {add = true}
        %dma_wait3A_105 = arith.constant 0 : i32
        %dma_wait3A_106 = tpu.memref_slice %arg8[%add3A_87, %dma_wait3A_105] : memref<40x128xi32, #tpu.memory_space<vmem>> -> memref<1x128xi32, #tpu.memory_space<vmem>>
        %dma_wait3A_107 = tpu.memref_squeeze %dma_wait3A_106 : memref<1x128xi32, #tpu.memory_space<vmem>> -> memref<128xi32, #tpu.memory_space<vmem>>
        %dma_wait3A_108 = arith.constant 0 : i32
        %dma_wait3A_109 = arith.constant 0 : i32
        %dma_wait3A_110 = tpu.memref_slice %arg13[%dma_wait3A_108, %dma_wait3A_109] : memref<10112x128xf32, #tpu.memory_space<vmem_shared>> -> memref<10112x128xf32, #tpu.memory_space<vmem_shared>>
        tpu.wait_indirect_dma semaphore(%run_scoped3A : memref<!tpu.dma_semaphore, #tpu.memory_space<semaphore_mem>>) src(%arg10 : memref<128x128xf32, #tpu.memory_space<vmem>>) dst(%dma_wait3A_110 : memref<10112x128xf32, #tpu.memory_space<vmem_shared>>)
        tpu.yield
      }) : () -> ()
      %lt3A_94 = arith.constant 19 : i32
      %lt3A_95 = arith.cmpi slt, %scan3A_68, %lt3A_94 : i32
      %convert_element_type3A_96 = arith.extui %lt3A_95 : i1 to i32
      %cond3A_97 = arith.constant 0 : i32
      %cond3A_98 = arith.cmpi ne, %convert_element_type3A_96, %cond3A_97 : i32
      scf.if %cond3A_98 {
        %add3A_99 = arith.constant 2 : i32
        %add3A_100 = arith.addi %add3A_87, %add3A_99 : i32
        %dma_start3A_101 = arith.constant 0 : i32
        %dma_start3A_102 = tpu.memref_slice %arg7[%add3A_100, %dma_start3A_101] : memref<40x128xi32, #tpu.memory_space<vmem>> -> memref<1x128xi32, #tpu.memory_space<vmem>>
        %dma_start3A_103 = tpu.memref_squeeze %dma_start3A_102 : memref<1x128xi32, #tpu.memory_space<vmem>> -> memref<128xi32, #tpu.memory_space<vmem>>
        %dma_start3A_104 = arith.constant 0 : i32
        %dma_start3A_105 = arith.constant 0 : i32
        %dma_start3A_106 = tpu.memref_slice %arg4[%dma_start3A_104, %dma_start3A_105] : memref<20000x128xf32, #tpu.memory_space<hbm>> -> memref<20000x128xf32, #tpu.memory_space<hbm>>
        tpu.enqueue_indirect_dma source(%dma_start3A_106 : memref<20000x128xf32, #tpu.memory_space<hbm>>) target(%arg10 : memref<128x128xf32, #tpu.memory_space<vmem>>) offsets(%dma_start3A_103 : memref<128xi32, #tpu.memory_space<vmem>>) semaphore(%arg12 : memref<!tpu.dma_semaphore, #tpu.memory_space<semaphore_mem>>)
      } else {
      }
    }
    %scan3A_58 = arith.constant 20 : i32
    %barrier3A_59 = arith.constant 0 : index
    tpu.barrier barrier_id(%barrier3A_59)
    %mul3A_60 = arith.constant 632 : i32
    %mul3A_61 = arith.muli %arg1, %mul3A_60 : i32
    %lt3A = arith.constant 15 : i32
    %lt3A_62 = arith.cmpi slt, %arg1, %lt3A : i32
    %convert_element_type3A = arith.extui %lt3A_62 : i1 to i32
    %cond3A = arith.constant 0 : i32
    %cond3A_63 = arith.cmpi ne, %convert_element_type3A, %cond3A : i32
    scf.if %cond3A_63 {
      %mul3A_68 = arith.constant 10000 : i32
      %mul3A_69 = arith.muli %arg0, %mul3A_68 : i32
      %add3A_70 = arith.addi %mul3A_69, %mul3A_61 : i32
      "tpu.region"() ({
        %run_scoped3A = tpu.sem_alloc : memref<!tpu.dma_semaphore, #tpu.memory_space<semaphore_mem>>
        %dma_start3A_71 = arith.constant 0 : i32
        %dma_start3A_72 = tpu.memref_slice %arg6[%add3A_70, %dma_start3A_71] : memref<20000x128xf32, #tpu.memory_space<hbm>> -> memref<632x128xf32, #tpu.memory_space<hbm>>
        %dma_start3A_73 = arith.constant 0 : i32
        %dma_start3A_74 = tpu.memref_slice %arg13[%mul3A_61, %dma_start3A_73] : memref<10112x128xf32, #tpu.memory_space<vmem_shared>> -> memref<632x128xf32, #tpu.memory_space<vmem_shared>>
        tpu.enqueue_dma source(%dma_start3A_74 : memref<632x128xf32, #tpu.memory_space<vmem_shared>>) target(%dma_start3A_72 : memref<632x128xf32, #tpu.memory_space<hbm>>) target_semaphore(%run_scoped3A : memref<!tpu.dma_semaphore, #tpu.memory_space<semaphore_mem>>)
        %dma_wait3A_75 = arith.constant 0 : i32
        %dma_wait3A_76 = tpu.memref_slice %arg6[%add3A_70, %dma_wait3A_75] : memref<20000x128xf32, #tpu.memory_space<hbm>> -> memref<632x128xf32, #tpu.memory_space<hbm>>
        %dma_wait3A_77 = arith.constant 0 : i32
        %dma_wait3A_78 = tpu.memref_slice %arg13[%mul3A_61, %dma_wait3A_77] : memref<10112x128xf32, #tpu.memory_space<vmem_shared>> -> memref<632x128xf32, #tpu.memory_space<vmem_shared>>
        tpu.wait_dma2 semaphore(%run_scoped3A : memref<!tpu.dma_semaphore, #tpu.memory_space<semaphore_mem>>) src(%dma_wait3A_78 : memref<632x128xf32, #tpu.memory_space<vmem_shared>>) dst(%dma_wait3A_76 : memref<632x128xf32, #tpu.memory_space<hbm>>)
        tpu.yield
      }) : () -> ()
    } else {
    }
    %eq3A = arith.constant 15 : i32
    %eq3A_64 = arith.cmpi eq, %arg1, %eq3A : i32
    %convert_element_type3A_65 = arith.extui %eq3A_64 : i1 to i32
    %cond3A_66 = arith.constant 0 : i32
    %cond3A_67 = arith.cmpi ne, %convert_element_type3A_65, %cond3A_66 : i32
    scf.if %cond3A_67 {
      %mul3A_68 = arith.constant 10000 : i32
      %mul3A_69 = arith.muli %arg0, %mul3A_68 : i32
      %add3A_70 = arith.addi %mul3A_69, %mul3A_61 : i32
      "tpu.region"() ({
        %run_scoped3A = tpu.sem_alloc : memref<!tpu.dma_semaphore, #tpu.memory_space<semaphore_mem>>
        %dma_start3A_71 = arith.constant 0 : i32
        %dma_start3A_72 = tpu.memref_slice %arg6[%add3A_70, %dma_start3A_71] : memref<20000x128xf32, #tpu.memory_space<hbm>> -> memref<520x128xf32, #tpu.memory_space<hbm>>
        %dma_start3A_73 = arith.constant 0 : i32
        %dma_start3A_74 = tpu.memref_slice %arg13[%mul3A_61, %dma_start3A_73] : memref<10112x128xf32, #tpu.memory_space<vmem_shared>> -> memref<520x128xf32, #tpu.memory_space<vmem_shared>>
        tpu.enqueue_dma source(%dma_start3A_74 : memref<520x128xf32, #tpu.memory_space<vmem_shared>>) target(%dma_start3A_72 : memref<520x128xf32, #tpu.memory_space<hbm>>) target_semaphore(%run_scoped3A : memref<!tpu.dma_semaphore, #tpu.memory_space<semaphore_mem>>)
        %dma_wait3A_75 = arith.constant 0 : i32
        %dma_wait3A_76 = tpu.memref_slice %arg6[%add3A_70, %dma_wait3A_75] : memref<20000x128xf32, #tpu.memory_space<hbm>> -> memref<520x128xf32, #tpu.memory_space<hbm>>
        %dma_wait3A_77 = arith.constant 0 : i32
        %dma_wait3A_78 = tpu.memref_slice %arg13[%mul3A_61, %dma_wait3A_77] : memref<10112x128xf32, #tpu.memory_space<vmem_shared>> -> memref<520x128xf32, #tpu.memory_space<vmem_shared>>
        tpu.wait_dma2 semaphore(%run_scoped3A : memref<!tpu.dma_semaphore, #tpu.memory_space<semaphore_mem>>) src(%dma_wait3A_78 : memref<520x128xf32, #tpu.memory_space<vmem_shared>>) dst(%dma_wait3A_76 : memref<520x128xf32, #tpu.memory_space<hbm>>)
        tpu.yield
      }) : () -> ()
    } else {
    }
    return
  }
}

#map = affine_map<(d0, d1) -> (0)>
#map1 = affine_map<(d0, d1) -> (0, 0)>
module attributes {stable_mosaic.version = 14 : i64} {
  func.func @_edge_dot_kernel(%arg0: i32, %arg1: i32, %arg2: memref<163840xi32, #tpu.memory_space<hbm>>, %arg3: memref<163840xi32, #tpu.memory_space<hbm>>, %arg4: memref<10112xf32, #tpu.memory_space<hbm>>, %arg5: memref<10112xf32, #tpu.memory_space<hbm>>, %arg6: memref<32x16xf32, #tpu.memory_space<hbm>>, %arg7: memref<5120xi32, #tpu.memory_space<vmem>>, %arg8: memref<5120xi32, #tpu.memory_space<vmem>>, %arg9: memref<10112xf32, #tpu.memory_space<vmem>>, %arg10: memref<10112xf32, #tpu.memory_space<vmem>>, %arg11: memref<16xf32, #tpu.memory_space<vmem>>) attributes {dimension_semantics = [#tpu.dimension_semantics<core_parallel>, #tpu.dimension_semantics<subcore_parallel>], iteration_bounds = array<i64: 2, 16>, scalar_prefetch = 0 : i64, scratch_operands = 5 : i64, tpu.core_type = #tpu.core_type<sc_vector_subcore>, window_params = [{transform_indices = #map}, {transform_indices = #map}, {transform_indices = #map}, {transform_indices = #map}, {transform_indices = #map1}]} {
    %mul3A = arith.constant 2 : i32
    %mul3A_0 = arith.muli %arg1, %mul3A : i32
    %add3A = arith.addi %mul3A_0, %arg0 : i32
    "tpu.region"() ({
      %run_scoped3A = tpu.sem_alloc : memref<!tpu.dma_semaphore, #tpu.memory_space<semaphore_mem>>
      tpu.enqueue_dma source(%arg4 : memref<10112xf32, #tpu.memory_space<hbm>>) target(%arg9 : memref<10112xf32, #tpu.memory_space<vmem>>) target_semaphore(%run_scoped3A : memref<!tpu.dma_semaphore, #tpu.memory_space<semaphore_mem>>)
      tpu.wait_dma2 semaphore(%run_scoped3A : memref<!tpu.dma_semaphore, #tpu.memory_space<semaphore_mem>>) src(%arg4 : memref<10112xf32, #tpu.memory_space<hbm>>) dst(%arg9 : memref<10112xf32, #tpu.memory_space<vmem>>)
      tpu.yield
    }) : () -> ()
    "tpu.region"() ({
      %run_scoped3A = tpu.sem_alloc : memref<!tpu.dma_semaphore, #tpu.memory_space<semaphore_mem>>
      tpu.enqueue_dma source(%arg5 : memref<10112xf32, #tpu.memory_space<hbm>>) target(%arg10 : memref<10112xf32, #tpu.memory_space<vmem>>) target_semaphore(%run_scoped3A : memref<!tpu.dma_semaphore, #tpu.memory_space<semaphore_mem>>)
      tpu.wait_dma2 semaphore(%run_scoped3A : memref<!tpu.dma_semaphore, #tpu.memory_space<semaphore_mem>>) src(%arg5 : memref<10112xf32, #tpu.memory_space<hbm>>) dst(%arg10 : memref<10112xf32, #tpu.memory_space<vmem>>)
      tpu.yield
    }) : () -> ()
    %mul3A_1 = arith.constant 5120 : i32
    %mul3A_2 = arith.muli %add3A, %mul3A_1 : i32
    "tpu.region"() ({
      %run_scoped3A = tpu.sem_alloc : memref<!tpu.dma_semaphore, #tpu.memory_space<semaphore_mem>>
      %dma_start3A = tpu.memref_slice %arg2[%mul3A_2] : memref<163840xi32, #tpu.memory_space<hbm>> -> memref<5120xi32, #tpu.memory_space<hbm>>
      %dma_start3A_12 = tpu.memref_slice %arg2[%mul3A_2] : memref<163840xi32, #tpu.memory_space<hbm>> -> memref<5120xi32, #tpu.memory_space<hbm>>
      tpu.enqueue_dma source(%dma_start3A_12 : memref<5120xi32, #tpu.memory_space<hbm>>) target(%arg7 : memref<5120xi32, #tpu.memory_space<vmem>>) target_semaphore(%run_scoped3A : memref<!tpu.dma_semaphore, #tpu.memory_space<semaphore_mem>>)
      %dma_wait3A = tpu.memref_slice %arg2[%mul3A_2] : memref<163840xi32, #tpu.memory_space<hbm>> -> memref<5120xi32, #tpu.memory_space<hbm>>
      %dma_wait3A_13 = tpu.memref_slice %arg2[%mul3A_2] : memref<163840xi32, #tpu.memory_space<hbm>> -> memref<5120xi32, #tpu.memory_space<hbm>>
      tpu.wait_dma2 semaphore(%run_scoped3A : memref<!tpu.dma_semaphore, #tpu.memory_space<semaphore_mem>>) src(%dma_wait3A_13 : memref<5120xi32, #tpu.memory_space<hbm>>) dst(%arg7 : memref<5120xi32, #tpu.memory_space<vmem>>)
      tpu.yield
    }) : () -> ()
    %mul3A_3 = arith.constant 5120 : i32
    %mul3A_4 = arith.muli %add3A, %mul3A_3 : i32
    "tpu.region"() ({
      %run_scoped3A = tpu.sem_alloc : memref<!tpu.dma_semaphore, #tpu.memory_space<semaphore_mem>>
      %dma_start3A = tpu.memref_slice %arg3[%mul3A_4] : memref<163840xi32, #tpu.memory_space<hbm>> -> memref<5120xi32, #tpu.memory_space<hbm>>
      %dma_start3A_12 = tpu.memref_slice %arg3[%mul3A_4] : memref<163840xi32, #tpu.memory_space<hbm>> -> memref<5120xi32, #tpu.memory_space<hbm>>
      tpu.enqueue_dma source(%dma_start3A_12 : memref<5120xi32, #tpu.memory_space<hbm>>) target(%arg8 : memref<5120xi32, #tpu.memory_space<vmem>>) target_semaphore(%run_scoped3A : memref<!tpu.dma_semaphore, #tpu.memory_space<semaphore_mem>>)
      %dma_wait3A = tpu.memref_slice %arg3[%mul3A_4] : memref<163840xi32, #tpu.memory_space<hbm>> -> memref<5120xi32, #tpu.memory_space<hbm>>
      %dma_wait3A_13 = tpu.memref_slice %arg3[%mul3A_4] : memref<163840xi32, #tpu.memory_space<hbm>> -> memref<5120xi32, #tpu.memory_space<hbm>>
      tpu.wait_dma2 semaphore(%run_scoped3A : memref<!tpu.dma_semaphore, #tpu.memory_space<semaphore_mem>>) src(%dma_wait3A_13 : memref<5120xi32, #tpu.memory_space<hbm>>) dst(%arg8 : memref<5120xi32, #tpu.memory_space<vmem>>)
      tpu.yield
    }) : () -> ()
    %broadcast_in_dim3A = arith.constant 0.000000e+00 : f32
    %broadcast_in_dim3A_5 = vector.broadcast %broadcast_in_dim3A : f32 to vector<16xf32>
    %scan3A = arith.constant 0 : i32
    %scan3A_6 = arith.constant 320 : i32
    %scan3A_7 = arith.addi %scan3A, %scan3A_6 : i32
    %scan3A_8 = arith.constant 1 : i32
    %scan3A_9 = scf.for %scan3A_12 = %scan3A to %scan3A_7 step %scan3A_8 iter_args(%scan3A_13 = %broadcast_in_dim3A_5) -> (vector<16xf32>)  : i32 {
      %mul3A_14 = arith.constant 16 : i32
      %mul3A_15 = arith.muli %scan3A_12, %mul3A_14 : i32
      %get3A = arith.index_cast %mul3A_15 : i32 to index
      %get3A_16 = tpu.vector_load %arg7[%get3A] {strides = array<i32>} : memref<5120xi32, #tpu.memory_space<vmem>>, vector<16xi32>,
      %mul3A_17 = arith.constant 16 : i32
      %mul3A_18 = arith.muli %scan3A_12, %mul3A_17 : i32
      %get3A_19 = arith.index_cast %mul3A_18 : i32 to index
      %get3A_20 = tpu.vector_load %arg8[%get3A_19] {strides = array<i32>} : memref<5120xi32, #tpu.memory_space<vmem>>, vector<16xi32>,
      %gather3A = tpu.vector_load_idx %arg9[%get3A_16] : memref<10112xf32, #tpu.memory_space<vmem>>[vector<16xi32>], vector<16xf32>,
      %gather3A_21 = tpu.vector_load_idx %arg10[%get3A_20] : memref<10112xf32, #tpu.memory_space<vmem>>[vector<16xi32>], vector<16xf32>,
      %mul3A_22 = arith.mulf %gather3A, %gather3A_21 : vector<16xf32>
      %add3A_23 = arith.addf %scan3A_13, %mul3A_22 : vector<16xf32>
      scf.yield %add3A_23 : vector<16xf32>
    }
    %scan3A_10 = arith.constant 320 : i32
    %swap3A = arith.constant 0 : index
    %swap3A_11 = tpu.vector_load %arg11[%swap3A] {strides = array<i32>} : memref<16xf32, #tpu.memory_space<vmem>>, vector<16xf32>,
    tpu.vector_store %arg11[%swap3A], %scan3A_9 {strides = array<i32>} : memref<16xf32, #tpu.memory_space<vmem>>, vector<16xf32>,
    "tpu.region"() ({
      %run_scoped3A = tpu.sem_alloc : memref<!tpu.dma_semaphore, #tpu.memory_space<semaphore_mem>>
      %dma_start3A = arith.constant 0 : i32
      %dma_start3A_12 = tpu.memref_slice %arg6[%add3A, %dma_start3A] : memref<32x16xf32, #tpu.memory_space<hbm>> -> memref<1x16xf32, #tpu.memory_space<hbm>>
      %dma_start3A_13 = tpu.memref_squeeze %dma_start3A_12 : memref<1x16xf32, #tpu.memory_space<hbm>> -> memref<16xf32, #tpu.memory_space<hbm>>
      %dma_start3A_14 = arith.constant 0 : i32
      %dma_start3A_15 = tpu.memref_slice %arg6[%add3A, %dma_start3A_14] : memref<32x16xf32, #tpu.memory_space<hbm>> -> memref<1x16xf32, #tpu.memory_space<hbm>>
      %dma_start3A_16 = tpu.memref_squeeze %dma_start3A_15 : memref<1x16xf32, #tpu.memory_space<hbm>> -> memref<16xf32, #tpu.memory_space<hbm>>
      tpu.enqueue_dma source(%arg11 : memref<16xf32, #tpu.memory_space<vmem>>) target(%dma_start3A_16 : memref<16xf32, #tpu.memory_space<hbm>>) target_semaphore(%run_scoped3A : memref<!tpu.dma_semaphore, #tpu.memory_space<semaphore_mem>>)
      %dma_wait3A = arith.constant 0 : i32
      %dma_wait3A_17 = tpu.memref_slice %arg6[%add3A, %dma_wait3A] : memref<32x16xf32, #tpu.memory_space<hbm>> -> memref<1x16xf32, #tpu.memory_space<hbm>>
      %dma_wait3A_18 = tpu.memref_squeeze %dma_wait3A_17 : memref<1x16xf32, #tpu.memory_space<hbm>> -> memref<16xf32, #tpu.memory_space<hbm>>
      %dma_wait3A_19 = arith.constant 0 : i32
      %dma_wait3A_20 = tpu.memref_slice %arg6[%add3A, %dma_wait3A_19] : memref<32x16xf32, #tpu.memory_space<hbm>> -> memref<1x16xf32, #tpu.memory_space<hbm>>
      %dma_wait3A_21 = tpu.memref_squeeze %dma_wait3A_20 : memref<1x16xf32, #tpu.memory_space<hbm>> -> memref<16xf32, #tpu.memory_space<hbm>>
      tpu.wait_dma2 semaphore(%run_scoped3A : memref<!tpu.dma_semaphore, #tpu.memory_space<semaphore_mem>>) src(%arg11 : memref<16xf32, #tpu.memory_space<vmem>>) dst(%dma_wait3A_21 : memref<16xf32, #tpu.memory_space<hbm>>)
      tpu.yield
    }) : () -> ()
    return
  }
}

#map = affine_map<(d0, d1) -> (0, 0, 0)>
#map1 = affine_map<(d0, d1) -> (0, 0)>
module attributes {stable_mosaic.version = 14 : i64} {
  func.func @_agg_kernel(%arg0: i32, %arg1: i32, %arg2: memref<64x40x128xi32, #tpu.memory_space<hbm>>, %arg3: memref<32x40x128xi32, #tpu.memory_space<hbm>>, %arg4: memref<20000x128xf32, #tpu.memory_space<hbm>>, %arg5: memref<632x128xf32, #tpu.memory_space<hbm>>, %arg6: memref<20000x128xf32, #tpu.memory_space<hbm>>, %arg7: memref<40x128xi32, #tpu.memory_space<vmem>>, %arg8: memref<40x128xi32, #tpu.memory_space<vmem>>, %arg9: memref<128x128xf32, #tpu.memory_space<vmem>>, %arg10: memref<128x128xf32, #tpu.memory_space<vmem>>, %arg11: memref<!tpu.dma_semaphore, #tpu.memory_space<semaphore_mem>>, %arg12: memref<!tpu.dma_semaphore, #tpu.memory_space<semaphore_mem>>, %arg13: memref<10112x128xf32, #tpu.memory_space<vmem_shared>>) attributes {dimension_semantics = [#tpu.dimension_semantics<core_parallel>, #tpu.dimension_semantics<subcore_parallel>], iteration_bounds = array<i64: 2, 16>, scalar_prefetch = 0 : i64, scratch_operands = 7 : i64, tpu.core_type = #tpu.core_type<sc_vector_subcore>, window_params = [{transform_indices = #map}, {transform_indices = #map}, {transform_indices = #map1}, {transform_indices = #map1}, {transform_indices = #map1}]} {
    %mul3A = arith.constant 632 : i32
    %mul3A_0 = arith.muli %arg1, %mul3A : i32
    %dma_start3A = arith.constant 0 : i32
    %dma_start3A_1 = tpu.memref_slice %arg13[%mul3A_0, %dma_start3A] : memref<10112x128xf32, #tpu.memory_space<vmem_shared>> -> memref<632x128xf32, #tpu.memory_space<vmem_shared>>
    tpu.enqueue_dma source(%arg5 : memref<632x128xf32, #tpu.memory_space<hbm>>) target(%dma_start3A_1 : memref<632x128xf32, #tpu.memory_space<vmem_shared>>) target_semaphore(%arg11 : memref<!tpu.dma_semaphore, #tpu.memory_space<semaphore_mem>>)
    %mul3A_2 = arith.constant 16 : i32
    %mul3A_3 = arith.muli %arg0, %mul3A_2 : i32
    %add3A = arith.addi %mul3A_3, %arg1 : i32
    %mul3A_4 = arith.constant 2 : i32
    %mul3A_5 = arith.muli %add3A, %mul3A_4 : i32
    "tpu.region"() ({
      %run_scoped3A = tpu.sem_alloc : memref<!tpu.dma_semaphore, #tpu.memory_space<semaphore_mem>>
      %dma_start3A_68 = arith.constant 0 : i32
      %dma_start3A_69 = arith.constant 0 : i32
      %dma_start3A_70 = tpu.memref_slice %arg2[%mul3A_5, %dma_start3A_68, %dma_start3A_69] : memref<64x40x128xi32, #tpu.memory_space<hbm>> -> memref<1x40x128xi32, #tpu.memory_space<hbm>>
      %dma_start3A_71 = tpu.memref_squeeze %dma_start3A_70 : memref<1x40x128xi32, #tpu.memory_space<hbm>> -> memref<40x128xi32, #tpu.memory_space<hbm>>
      %dma_start3A_72 = arith.constant 0 : i32
      %dma_start3A_73 = arith.constant 0 : i32
      %dma_start3A_74 = tpu.memref_slice %arg2[%mul3A_5, %dma_start3A_72, %dma_start3A_73] : memref<64x40x128xi32, #tpu.memory_space<hbm>> -> memref<1x40x128xi32, #tpu.memory_space<hbm>>
      %dma_start3A_75 = tpu.memref_squeeze %dma_start3A_74 : memref<1x40x128xi32, #tpu.memory_space<hbm>> -> memref<40x128xi32, #tpu.memory_space<hbm>>
      tpu.enqueue_dma source(%dma_start3A_75 : memref<40x128xi32, #tpu.memory_space<hbm>>) target(%arg7 : memref<40x128xi32, #tpu.memory_space<vmem>>) target_semaphore(%run_scoped3A : memref<!tpu.dma_semaphore, #tpu.memory_space<semaphore_mem>>)
      %dma_wait3A_76 = arith.constant 0 : i32
      %dma_wait3A_77 = arith.constant 0 : i32
      %dma_wait3A_78 = tpu.memref_slice %arg2[%mul3A_5, %dma_wait3A_76, %dma_wait3A_77] : memref<64x40x128xi32, #tpu.memory_space<hbm>> -> memref<1x40x128xi32, #tpu.memory_space<hbm>>
      %dma_wait3A_79 = tpu.memref_squeeze %dma_wait3A_78 : memref<1x40x128xi32, #tpu.memory_space<hbm>> -> memref<40x128xi32, #tpu.memory_space<hbm>>
      %dma_wait3A_80 = arith.constant 0 : i32
      %dma_wait3A_81 = arith.constant 0 : i32
      %dma_wait3A_82 = tpu.memref_slice %arg2[%mul3A_5, %dma_wait3A_80, %dma_wait3A_81] : memref<64x40x128xi32, #tpu.memory_space<hbm>> -> memref<1x40x128xi32, #tpu.memory_space<hbm>>
      %dma_wait3A_83 = tpu.memref_squeeze %dma_wait3A_82 : memref<1x40x128xi32, #tpu.memory_space<hbm>> -> memref<40x128xi32, #tpu.memory_space<hbm>>
      tpu.wait_dma2 semaphore(%run_scoped3A : memref<!tpu.dma_semaphore, #tpu.memory_space<semaphore_mem>>) src(%dma_wait3A_83 : memref<40x128xi32, #tpu.memory_space<hbm>>) dst(%arg7 : memref<40x128xi32, #tpu.memory_space<vmem>>)
      tpu.yield
    }) : () -> ()
    %mul3A_6 = arith.constant 2 : i32
    %mul3A_7 = arith.muli %arg1, %mul3A_6 : i32
    "tpu.region"() ({
      %run_scoped3A = tpu.sem_alloc : memref<!tpu.dma_semaphore, #tpu.memory_space<semaphore_mem>>
      %dma_start3A_68 = arith.constant 0 : i32
      %dma_start3A_69 = arith.constant 0 : i32
      %dma_start3A_70 = tpu.memref_slice %arg3[%mul3A_7, %dma_start3A_68, %dma_start3A_69] : memref<32x40x128xi32, #tpu.memory_space<hbm>> -> memref<1x40x128xi32, #tpu.memory_space<hbm>>
      %dma_start3A_71 = tpu.memref_squeeze %dma_start3A_70 : memref<1x40x128xi32, #tpu.memory_space<hbm>> -> memref<40x128xi32, #tpu.memory_space<hbm>>
      %dma_start3A_72 = arith.constant 0 : i32
      %dma_start3A_73 = arith.constant 0 : i32
      %dma_start3A_74 = tpu.memref_slice %arg3[%mul3A_7, %dma_start3A_72, %dma_start3A_73] : memref<32x40x128xi32, #tpu.memory_space<hbm>> -> memref<1x40x128xi32, #tpu.memory_space<hbm>>
      %dma_start3A_75 = tpu.memref_squeeze %dma_start3A_74 : memref<1x40x128xi32, #tpu.memory_space<hbm>> -> memref<40x128xi32, #tpu.memory_space<hbm>>
      tpu.enqueue_dma source(%dma_start3A_75 : memref<40x128xi32, #tpu.memory_space<hbm>>) target(%arg8 : memref<40x128xi32, #tpu.memory_space<vmem>>) target_semaphore(%run_scoped3A : memref<!tpu.dma_semaphore, #tpu.memory_space<semaphore_mem>>)
      %dma_wait3A_76 = arith.constant 0 : i32
      %dma_wait3A_77 = arith.constant 0 : i32
      %dma_wait3A_78 = tpu.memref_slice %arg3[%mul3A_7, %dma_wait3A_76, %dma_wait3A_77] : memref<32x40x128xi32, #tpu.memory_space<hbm>> -> memref<1x40x128xi32, #tpu.memory_space<hbm>>
      %dma_wait3A_79 = tpu.memref_squeeze %dma_wait3A_78 : memref<1x40x128xi32, #tpu.memory_space<hbm>> -> memref<40x128xi32, #tpu.memory_space<hbm>>
      %dma_wait3A_80 = arith.constant 0 : i32
      %dma_wait3A_81 = arith.constant 0 : i32
      %dma_wait3A_82 = tpu.memref_slice %arg3[%mul3A_7, %dma_wait3A_80, %dma_wait3A_81] : memref<32x40x128xi32, #tpu.memory_space<hbm>> -> memref<1x40x128xi32, #tpu.memory_space<hbm>>
      %dma_wait3A_83 = tpu.memref_squeeze %dma_wait3A_82 : memref<1x40x128xi32, #tpu.memory_space<hbm>> -> memref<40x128xi32, #tpu.memory_space<hbm>>
      tpu.wait_dma2 semaphore(%run_scoped3A : memref<!tpu.dma_semaphore, #tpu.memory_space<semaphore_mem>>) src(%dma_wait3A_83 : memref<40x128xi32, #tpu.memory_space<hbm>>) dst(%arg8 : memref<40x128xi32, #tpu.memory_space<vmem>>)
      tpu.yield
    }) : () -> ()
    %dma_wait3A = arith.constant 0 : i32
    %dma_wait3A_8 = tpu.memref_slice %arg13[%mul3A_0, %dma_wait3A] : memref<10112x128xf32, #tpu.memory_space<vmem_shared>> -> memref<632x128xf32, #tpu.memory_space<vmem_shared>>
    tpu.wait_dma2 semaphore(%arg11 : memref<!tpu.dma_semaphore, #tpu.memory_space<semaphore_mem>>) src(%arg5 : memref<632x128xf32, #tpu.memory_space<hbm>>) dst(%dma_wait3A_8 : memref<632x128xf32, #tpu.memory_space<vmem_shared>>)
    %barrier3A = arith.constant 0 : index
    tpu.barrier barrier_id(%barrier3A)
    %dma_start3A_9 = arith.constant 0 : i32
    %dma_start3A_10 = arith.constant 0 : i32
    %dma_start3A_11 = tpu.memref_slice %arg7[%dma_start3A_9, %dma_start3A_10] : memref<40x128xi32, #tpu.memory_space<vmem>> -> memref<1x128xi32, #tpu.memory_space<vmem>>
    %dma_start3A_12 = tpu.memref_squeeze %dma_start3A_11 : memref<1x128xi32, #tpu.memory_space<vmem>> -> memref<128xi32, #tpu.memory_space<vmem>>
    %dma_start3A_13 = arith.constant 0 : i32
    %dma_start3A_14 = arith.constant 0 : i32
    %dma_start3A_15 = tpu.memref_slice %arg4[%dma_start3A_13, %dma_start3A_14] : memref<20000x128xf32, #tpu.memory_space<hbm>> -> memref<20000x128xf32, #tpu.memory_space<hbm>>
    tpu.enqueue_indirect_dma source(%dma_start3A_15 : memref<20000x128xf32, #tpu.memory_space<hbm>>) target(%arg9 : memref<128x128xf32, #tpu.memory_space<vmem>>) offsets(%dma_start3A_12 : memref<128xi32, #tpu.memory_space<vmem>>) semaphore(%arg11 : memref<!tpu.dma_semaphore, #tpu.memory_space<semaphore_mem>>)
    %dma_start3A_16 = arith.constant 1 : i32
    %dma_start3A_17 = arith.constant 0 : i32
    %dma_start3A_18 = tpu.memref_slice %arg7[%dma_start3A_16, %dma_start3A_17] : memref<40x128xi32, #tpu.memory_space<vmem>> -> memref<1x128xi32, #tpu.memory_space<vmem>>
    %dma_start3A_19 = tpu.memref_squeeze %dma_start3A_18 : memref<1x128xi32, #tpu.memory_space<vmem>> -> memref<128xi32, #tpu.memory_space<vmem>>
    %dma_start3A_20 = arith.constant 0 : i32
    %dma_start3A_21 = arith.constant 0 : i32
    %dma_start3A_22 = tpu.memref_slice %arg4[%dma_start3A_20, %dma_start3A_21] : memref<20000x128xf32, #tpu.memory_space<hbm>> -> memref<20000x128xf32, #tpu.memory_space<hbm>>
    tpu.enqueue_indirect_dma source(%dma_start3A_22 : memref<20000x128xf32, #tpu.memory_space<hbm>>) target(%arg10 : memref<128x128xf32, #tpu.memory_space<vmem>>) offsets(%dma_start3A_19 : memref<128xi32, #tpu.memory_space<vmem>>) semaphore(%arg12 : memref<!tpu.dma_semaphore, #tpu.memory_space<semaphore_mem>>)
    %scan3A = arith.constant 0 : i32
    %scan3A_23 = arith.constant 0 : i32
    %scan3A_24 = arith.constant 20 : i32
    %scan3A_25 = arith.addi %scan3A_23, %scan3A_24 : i32
    %scan3A_26 = arith.constant 1 : i32
    scf.for %scan3A_68 = %scan3A_23 to %scan3A_25 step %scan3A_26  : i32 {
      %mul3A_69 = arith.constant 2 : i32
      %mul3A_70 = arith.muli %scan3A_68, %mul3A_69 : i32
      %add3A_71 = arith.constant 0 : i32
      %add3A_72 = arith.addi %mul3A_70, %add3A_71 : i32
      %dma_wait3A_73 = arith.constant 0 : i32
      %dma_wait3A_74 = tpu.memref_slice %arg7[%add3A_72, %dma_wait3A_73] : memref<40x128xi32, #tpu.memory_space<vmem>> -> memref<1x128xi32, #tpu.memory_space<vmem>>
      %dma_wait3A_75 = tpu.memref_squeeze %dma_wait3A_74 : memref<1x128xi32, #tpu.memory_space<vmem>> -> memref<128xi32, #tpu.memory_space<vmem>>
      %dma_wait3A_76 = arith.constant 0 : i32
      %dma_wait3A_77 = arith.constant 0 : i32
      %dma_wait3A_78 = tpu.memref_slice %arg4[%dma_wait3A_76, %dma_wait3A_77] : memref<20000x128xf32, #tpu.memory_space<hbm>> -> memref<20000x128xf32, #tpu.memory_space<hbm>>
      tpu.wait_indirect_dma semaphore(%arg11 : memref<!tpu.dma_semaphore, #tpu.memory_space<semaphore_mem>>) src(%dma_wait3A_78 : memref<20000x128xf32, #tpu.memory_space<hbm>>) dst(%arg9 : memref<128x128xf32, #tpu.memory_space<vmem>>)
      "tpu.region"() ({
        %run_scoped3A = tpu.sem_alloc : memref<!tpu.dma_semaphore, #tpu.memory_space<semaphore_mem>>
        %dma_start3A_99 = arith.constant 0 : i32
        %dma_start3A_100 = tpu.memref_slice %arg8[%add3A_72, %dma_start3A_99] : memref<40x128xi32, #tpu.memory_space<vmem>> -> memref<1x128xi32, #tpu.memory_space<vmem>>
        %dma_start3A_101 = tpu.memref_squeeze %dma_start3A_100 : memref<1x128xi32, #tpu.memory_space<vmem>> -> memref<128xi32, #tpu.memory_space<vmem>>
        %dma_start3A_102 = arith.constant 0 : i32
        %dma_start3A_103 = arith.constant 0 : i32
        %dma_start3A_104 = tpu.memref_slice %arg13[%dma_start3A_102, %dma_start3A_103] : memref<10112x128xf32, #tpu.memory_space<vmem_shared>> -> memref<10112x128xf32, #tpu.memory_space<vmem_shared>>
        tpu.enqueue_indirect_dma source(%arg9 : memref<128x128xf32, #tpu.memory_space<vmem>>) target(%dma_start3A_104 : memref<10112x128xf32, #tpu.memory_space<vmem_shared>>) offsets(%dma_start3A_101 : memref<128xi32, #tpu.memory_space<vmem>>) semaphore(%run_scoped3A : memref<!tpu.dma_semaphore, #tpu.memory_space<semaphore_mem>>) {add = true}
        %dma_wait3A_105 = arith.constant 0 : i32
        %dma_wait3A_106 = tpu.memref_slice %arg8[%add3A_72, %dma_wait3A_105] : memref<40x128xi32, #tpu.memory_space<vmem>> -> memref<1x128xi32, #tpu.memory_space<vmem>>
        %dma_wait3A_107 = tpu.memref_squeeze %dma_wait3A_106 : memref<1x128xi32, #tpu.memory_space<vmem>> -> memref<128xi32, #tpu.memory_space<vmem>>
        %dma_wait3A_108 = arith.constant 0 : i32
        %dma_wait3A_109 = arith.constant 0 : i32
        %dma_wait3A_110 = tpu.memref_slice %arg13[%dma_wait3A_108, %dma_wait3A_109] : memref<10112x128xf32, #tpu.memory_space<vmem_shared>> -> memref<10112x128xf32, #tpu.memory_space<vmem_shared>>
        tpu.wait_indirect_dma semaphore(%run_scoped3A : memref<!tpu.dma_semaphore, #tpu.memory_space<semaphore_mem>>) src(%arg9 : memref<128x128xf32, #tpu.memory_space<vmem>>) dst(%dma_wait3A_110 : memref<10112x128xf32, #tpu.memory_space<vmem_shared>>)
        tpu.yield
      }) : () -> ()
      %lt3A_79 = arith.constant 19 : i32
      %lt3A_80 = arith.cmpi slt, %scan3A_68, %lt3A_79 : i32
      %convert_element_type3A_81 = arith.extui %lt3A_80 : i1 to i32
      %cond3A_82 = arith.constant 0 : i32
      %cond3A_83 = arith.cmpi ne, %convert_element_type3A_81, %cond3A_82 : i32
      scf.if %cond3A_83 {
        %add3A_99 = arith.constant 2 : i32
        %add3A_100 = arith.addi %add3A_72, %add3A_99 : i32
        %dma_start3A_101 = arith.constant 0 : i32
        %dma_start3A_102 = tpu.memref_slice %arg7[%add3A_100, %dma_start3A_101] : memref<40x128xi32, #tpu.memory_space<vmem>> -> memref<1x128xi32, #tpu.memory_space<vmem>>
        %dma_start3A_103 = tpu.memref_squeeze %dma_start3A_102 : memref<1x128xi32, #tpu.memory_space<vmem>> -> memref<128xi32, #tpu.memory_space<vmem>>
        %dma_start3A_104 = arith.constant 0 : i32
        %dma_start3A_105 = arith.constant 0 : i32
        %dma_start3A_106 = tpu.memref_slice %arg4[%dma_start3A_104, %dma_start3A_105] : memref<20000x128xf32, #tpu.memory_space<hbm>> -> memref<20000x128xf32, #tpu.memory_space<hbm>>
        tpu.enqueue_indirect_dma source(%dma_start3A_106 : memref<20000x128xf32, #tpu.memory_space<hbm>>) target(%arg9 : memref<128x128xf32, #tpu.memory_space<vmem>>) offsets(%dma_start3A_103 : memref<128xi32, #tpu.memory_space<vmem>>) semaphore(%arg11 : memref<!tpu.dma_semaphore, #tpu.memory_space<semaphore_mem>>)
      } else {
      }
      %mul3A_84 = arith.constant 2 : i32
      %mul3A_85 = arith.muli %scan3A_68, %mul3A_84 : i32
      %add3A_86 = arith.constant 1 : i32
      %add3A_87 = arith.addi %mul3A_85, %add3A_86 : i32
      %dma_wait3A_88 = arith.constant 0 : i32
      %dma_wait3A_89 = tpu.memref_slice %arg7[%add3A_87, %dma_wait3A_88] : memref<40x128xi32, #tpu.memory_space<vmem>> -> memref<1x128xi32, #tpu.memory_space<vmem>>
      %dma_wait3A_90 = tpu.memref_squeeze %dma_wait3A_89 : memref<1x128xi32, #tpu.memory_space<vmem>> -> memref<128xi32, #tpu.memory_space<vmem>>
      %dma_wait3A_91 = arith.constant 0 : i32
      %dma_wait3A_92 = arith.constant 0 : i32
      %dma_wait3A_93 = tpu.memref_slice %arg4[%dma_wait3A_91, %dma_wait3A_92] : memref<20000x128xf32, #tpu.memory_space<hbm>> -> memref<20000x128xf32, #tpu.memory_space<hbm>>
      tpu.wait_indirect_dma semaphore(%arg12 : memref<!tpu.dma_semaphore, #tpu.memory_space<semaphore_mem>>) src(%dma_wait3A_93 : memref<20000x128xf32, #tpu.memory_space<hbm>>) dst(%arg10 : memref<128x128xf32, #tpu.memory_space<vmem>>)
      "tpu.region"() ({
        %run_scoped3A = tpu.sem_alloc : memref<!tpu.dma_semaphore, #tpu.memory_space<semaphore_mem>>
        %dma_start3A_99 = arith.constant 0 : i32
        %dma_start3A_100 = tpu.memref_slice %arg8[%add3A_87, %dma_start3A_99] : memref<40x128xi32, #tpu.memory_space<vmem>> -> memref<1x128xi32, #tpu.memory_space<vmem>>
        %dma_start3A_101 = tpu.memref_squeeze %dma_start3A_100 : memref<1x128xi32, #tpu.memory_space<vmem>> -> memref<128xi32, #tpu.memory_space<vmem>>
        %dma_start3A_102 = arith.constant 0 : i32
        %dma_start3A_103 = arith.constant 0 : i32
        %dma_start3A_104 = tpu.memref_slice %arg13[%dma_start3A_102, %dma_start3A_103] : memref<10112x128xf32, #tpu.memory_space<vmem_shared>> -> memref<10112x128xf32, #tpu.memory_space<vmem_shared>>
        tpu.enqueue_indirect_dma source(%arg10 : memref<128x128xf32, #tpu.memory_space<vmem>>) target(%dma_start3A_104 : memref<10112x128xf32, #tpu.memory_space<vmem_shared>>) offsets(%dma_start3A_101 : memref<128xi32, #tpu.memory_space<vmem>>) semaphore(%run_scoped3A : memref<!tpu.dma_semaphore, #tpu.memory_space<semaphore_mem>>) {add = true}
        %dma_wait3A_105 = arith.constant 0 : i32
        %dma_wait3A_106 = tpu.memref_slice %arg8[%add3A_87, %dma_wait3A_105] : memref<40x128xi32, #tpu.memory_space<vmem>> -> memref<1x128xi32, #tpu.memory_space<vmem>>
        %dma_wait3A_107 = tpu.memref_squeeze %dma_wait3A_106 : memref<1x128xi32, #tpu.memory_space<vmem>> -> memref<128xi32, #tpu.memory_space<vmem>>
        %dma_wait3A_108 = arith.constant 0 : i32
        %dma_wait3A_109 = arith.constant 0 : i32
        %dma_wait3A_110 = tpu.memref_slice %arg13[%dma_wait3A_108, %dma_wait3A_109] : memref<10112x128xf32, #tpu.memory_space<vmem_shared>> -> memref<10112x128xf32, #tpu.memory_space<vmem_shared>>
        tpu.wait_indirect_dma semaphore(%run_scoped3A : memref<!tpu.dma_semaphore, #tpu.memory_space<semaphore_mem>>) src(%arg10 : memref<128x128xf32, #tpu.memory_space<vmem>>) dst(%dma_wait3A_110 : memref<10112x128xf32, #tpu.memory_space<vmem_shared>>)
        tpu.yield
      }) : () -> ()
      %lt3A_94 = arith.constant 19 : i32
      %lt3A_95 = arith.cmpi slt, %scan3A_68, %lt3A_94 : i32
      %convert_element_type3A_96 = arith.extui %lt3A_95 : i1 to i32
      %cond3A_97 = arith.constant 0 : i32
      %cond3A_98 = arith.cmpi ne, %convert_element_type3A_96, %cond3A_97 : i32
      scf.if %cond3A_98 {
        %add3A_99 = arith.constant 2 : i32
        %add3A_100 = arith.addi %add3A_87, %add3A_99 : i32
        %dma_start3A_101 = arith.constant 0 : i32
        %dma_start3A_102 = tpu.memref_slice %arg7[%add3A_100, %dma_start3A_101] : memref<40x128xi32, #tpu.memory_space<vmem>> -> memref<1x128xi32, #tpu.memory_space<vmem>>
        %dma_start3A_103 = tpu.memref_squeeze %dma_start3A_102 : memref<1x128xi32, #tpu.memory_space<vmem>> -> memref<128xi32, #tpu.memory_space<vmem>>
        %dma_start3A_104 = arith.constant 0 : i32
        %dma_start3A_105 = arith.constant 0 : i32
        %dma_start3A_106 = tpu.memref_slice %arg4[%dma_start3A_104, %dma_start3A_105] : memref<20000x128xf32, #tpu.memory_space<hbm>> -> memref<20000x128xf32, #tpu.memory_space<hbm>>
        tpu.enqueue_indirect_dma source(%dma_start3A_106 : memref<20000x128xf32, #tpu.memory_space<hbm>>) target(%arg10 : memref<128x128xf32, #tpu.memory_space<vmem>>) offsets(%dma_start3A_103 : memref<128xi32, #tpu.memory_space<vmem>>) semaphore(%arg12 : memref<!tpu.dma_semaphore, #tpu.memory_space<semaphore_mem>>)
      } else {
      }
    }
    %scan3A_27 = arith.constant 20 : i32
    %mul3A_28 = arith.constant 16 : i32
    %mul3A_29 = arith.muli %arg0, %mul3A_28 : i32
    %add3A_30 = arith.addi %mul3A_29, %arg1 : i32
    %mul3A_31 = arith.constant 2 : i32
    %mul3A_32 = arith.muli %add3A_30, %mul3A_31 : i32
    %add3A_33 = arith.constant 1 : i32
    %add3A_34 = arith.addi %mul3A_32, %add3A_33 : i32
    "tpu.region"() ({
      %run_scoped3A = tpu.sem_alloc : memref<!tpu.dma_semaphore, #tpu.memory_space<semaphore_mem>>
      %dma_start3A_68 = arith.constant 0 : i32
      %dma_start3A_69 = arith.constant 0 : i32
      %dma_start3A_70 = tpu.memref_slice %arg2[%add3A_34, %dma_start3A_68, %dma_start3A_69] : memref<64x40x128xi32, #tpu.memory_space<hbm>> -> memref<1x40x128xi32, #tpu.memory_space<hbm>>
      %dma_start3A_71 = tpu.memref_squeeze %dma_start3A_70 : memref<1x40x128xi32, #tpu.memory_space<hbm>> -> memref<40x128xi32, #tpu.memory_space<hbm>>
      %dma_start3A_72 = arith.constant 0 : i32
      %dma_start3A_73 = arith.constant 0 : i32
      %dma_start3A_74 = tpu.memref_slice %arg2[%add3A_34, %dma_start3A_72, %dma_start3A_73] : memref<64x40x128xi32, #tpu.memory_space<hbm>> -> memref<1x40x128xi32, #tpu.memory_space<hbm>>
      %dma_start3A_75 = tpu.memref_squeeze %dma_start3A_74 : memref<1x40x128xi32, #tpu.memory_space<hbm>> -> memref<40x128xi32, #tpu.memory_space<hbm>>
      tpu.enqueue_dma source(%dma_start3A_75 : memref<40x128xi32, #tpu.memory_space<hbm>>) target(%arg7 : memref<40x128xi32, #tpu.memory_space<vmem>>) target_semaphore(%run_scoped3A : memref<!tpu.dma_semaphore, #tpu.memory_space<semaphore_mem>>)
      %dma_wait3A_76 = arith.constant 0 : i32
      %dma_wait3A_77 = arith.constant 0 : i32
      %dma_wait3A_78 = tpu.memref_slice %arg2[%add3A_34, %dma_wait3A_76, %dma_wait3A_77] : memref<64x40x128xi32, #tpu.memory_space<hbm>> -> memref<1x40x128xi32, #tpu.memory_space<hbm>>
      %dma_wait3A_79 = tpu.memref_squeeze %dma_wait3A_78 : memref<1x40x128xi32, #tpu.memory_space<hbm>> -> memref<40x128xi32, #tpu.memory_space<hbm>>
      %dma_wait3A_80 = arith.constant 0 : i32
      %dma_wait3A_81 = arith.constant 0 : i32
      %dma_wait3A_82 = tpu.memref_slice %arg2[%add3A_34, %dma_wait3A_80, %dma_wait3A_81] : memref<64x40x128xi32, #tpu.memory_space<hbm>> -> memref<1x40x128xi32, #tpu.memory_space<hbm>>
      %dma_wait3A_83 = tpu.memref_squeeze %dma_wait3A_82 : memref<1x40x128xi32, #tpu.memory_space<hbm>> -> memref<40x128xi32, #tpu.memory_space<hbm>>
      tpu.wait_dma2 semaphore(%run_scoped3A : memref<!tpu.dma_semaphore, #tpu.memory_space<semaphore_mem>>) src(%dma_wait3A_83 : memref<40x128xi32, #tpu.memory_space<hbm>>) dst(%arg7 : memref<40x128xi32, #tpu.memory_space<vmem>>)
      tpu.yield
    }) : () -> ()
    %mul3A_35 = arith.constant 2 : i32
    %mul3A_36 = arith.muli %arg1, %mul3A_35 : i32
    %add3A_37 = arith.constant 1 : i32
    %add3A_38 = arith.addi %mul3A_36, %add3A_37 : i32
    "tpu.region"() ({
      %run_scoped3A = tpu.sem_alloc : memref<!tpu.dma_semaphore, #tpu.memory_space<semaphore_mem>>
      %dma_start3A_68 = arith.constant 0 : i32
      %dma_start3A_69 = arith.constant 0 : i32
      %dma_start3A_70 = tpu.memref_slice %arg3[%add3A_38, %dma_start3A_68, %dma_start3A_69] : memref<32x40x128xi32, #tpu.memory_space<hbm>> -> memref<1x40x128xi32, #tpu.memory_space<hbm>>
      %dma_start3A_71 = tpu.memref_squeeze %dma_start3A_70 : memref<1x40x128xi32, #tpu.memory_space<hbm>> -> memref<40x128xi32, #tpu.memory_space<hbm>>
      %dma_start3A_72 = arith.constant 0 : i32
      %dma_start3A_73 = arith.constant 0 : i32
      %dma_start3A_74 = tpu.memref_slice %arg3[%add3A_38, %dma_start3A_72, %dma_start3A_73] : memref<32x40x128xi32, #tpu.memory_space<hbm>> -> memref<1x40x128xi32, #tpu.memory_space<hbm>>
      %dma_start3A_75 = tpu.memref_squeeze %dma_start3A_74 : memref<1x40x128xi32, #tpu.memory_space<hbm>> -> memref<40x128xi32, #tpu.memory_space<hbm>>
      tpu.enqueue_dma source(%dma_start3A_75 : memref<40x128xi32, #tpu.memory_space<hbm>>) target(%arg8 : memref<40x128xi32, #tpu.memory_space<vmem>>) target_semaphore(%run_scoped3A : memref<!tpu.dma_semaphore, #tpu.memory_space<semaphore_mem>>)
      %dma_wait3A_76 = arith.constant 0 : i32
      %dma_wait3A_77 = arith.constant 0 : i32
      %dma_wait3A_78 = tpu.memref_slice %arg3[%add3A_38, %dma_wait3A_76, %dma_wait3A_77] : memref<32x40x128xi32, #tpu.memory_space<hbm>> -> memref<1x40x128xi32, #tpu.memory_space<hbm>>
      %dma_wait3A_79 = tpu.memref_squeeze %dma_wait3A_78 : memref<1x40x128xi32, #tpu.memory_space<hbm>> -> memref<40x128xi32, #tpu.memory_space<hbm>>
      %dma_wait3A_80 = arith.constant 0 : i32
      %dma_wait3A_81 = arith.constant 0 : i32
      %dma_wait3A_82 = tpu.memref_slice %arg3[%add3A_38, %dma_wait3A_80, %dma_wait3A_81] : memref<32x40x128xi32, #tpu.memory_space<hbm>> -> memref<1x40x128xi32, #tpu.memory_space<hbm>>
      %dma_wait3A_83 = tpu.memref_squeeze %dma_wait3A_82 : memref<1x40x128xi32, #tpu.memory_space<hbm>> -> memref<40x128xi32, #tpu.memory_space<hbm>>
      tpu.wait_dma2 semaphore(%run_scoped3A : memref<!tpu.dma_semaphore, #tpu.memory_space<semaphore_mem>>) src(%dma_wait3A_83 : memref<40x128xi32, #tpu.memory_space<hbm>>) dst(%arg8 : memref<40x128xi32, #tpu.memory_space<vmem>>)
      tpu.yield
    }) : () -> ()
    %dma_start3A_39 = arith.constant 0 : i32
    %dma_start3A_40 = arith.constant 0 : i32
    %dma_start3A_41 = tpu.memref_slice %arg7[%dma_start3A_39, %dma_start3A_40] : memref<40x128xi32, #tpu.memory_space<vmem>> -> memref<1x128xi32, #tpu.memory_space<vmem>>
    %dma_start3A_42 = tpu.memref_squeeze %dma_start3A_41 : memref<1x128xi32, #tpu.memory_space<vmem>> -> memref<128xi32, #tpu.memory_space<vmem>>
    %dma_start3A_43 = arith.constant 0 : i32
    %dma_start3A_44 = arith.constant 0 : i32
    %dma_start3A_45 = tpu.memref_slice %arg4[%dma_start3A_43, %dma_start3A_44] : memref<20000x128xf32, #tpu.memory_space<hbm>> -> memref<20000x128xf32, #tpu.memory_space<hbm>>
    tpu.enqueue_indirect_dma source(%dma_start3A_45 : memref<20000x128xf32, #tpu.memory_space<hbm>>) target(%arg9 : memref<128x128xf32, #tpu.memory_space<vmem>>) offsets(%dma_start3A_42 : memref<128xi32, #tpu.memory_space<vmem>>) semaphore(%arg11 : memref<!tpu.dma_semaphore, #tpu.memory_space<semaphore_mem>>)
    %dma_start3A_46 = arith.constant 1 : i32
    %dma_start3A_47 = arith.constant 0 : i32
    %dma_start3A_48 = tpu.memref_slice %arg7[%dma_start3A_46, %dma_start3A_47] : memref<40x128xi32, #tpu.memory_space<vmem>> -> memref<1x128xi32, #tpu.memory_space<vmem>>
    %dma_start3A_49 = tpu.memref_squeeze %dma_start3A_48 : memref<1x128xi32, #tpu.memory_space<vmem>> -> memref<128xi32, #tpu.memory_space<vmem>>
    %dma_start3A_50 = arith.constant 0 : i32
    %dma_start3A_51 = arith.constant 0 : i32
    %dma_start3A_52 = tpu.memref_slice %arg4[%dma_start3A_50, %dma_start3A_51] : memref<20000x128xf32, #tpu.memory_space<hbm>> -> memref<20000x128xf32, #tpu.memory_space<hbm>>
    tpu.enqueue_indirect_dma source(%dma_start3A_52 : memref<20000x128xf32, #tpu.memory_space<hbm>>) target(%arg10 : memref<128x128xf32, #tpu.memory_space<vmem>>) offsets(%dma_start3A_49 : memref<128xi32, #tpu.memory_space<vmem>>) semaphore(%arg12 : memref<!tpu.dma_semaphore, #tpu.memory_space<semaphore_mem>>)
    %scan3A_53 = arith.constant 0 : i32
    %scan3A_54 = arith.constant 0 : i32
    %scan3A_55 = arith.constant 20 : i32
    %scan3A_56 = arith.addi %scan3A_54, %scan3A_55 : i32
    %scan3A_57 = arith.constant 1 : i32
    scf.for %scan3A_68 = %scan3A_54 to %scan3A_56 step %scan3A_57  : i32 {
      %mul3A_69 = arith.constant 2 : i32
      %mul3A_70 = arith.muli %scan3A_68, %mul3A_69 : i32
      %add3A_71 = arith.constant 0 : i32
      %add3A_72 = arith.addi %mul3A_70, %add3A_71 : i32
      %dma_wait3A_73 = arith.constant 0 : i32
      %dma_wait3A_74 = tpu.memref_slice %arg7[%add3A_72, %dma_wait3A_73] : memref<40x128xi32, #tpu.memory_space<vmem>> -> memref<1x128xi32, #tpu.memory_space<vmem>>
      %dma_wait3A_75 = tpu.memref_squeeze %dma_wait3A_74 : memref<1x128xi32, #tpu.memory_space<vmem>> -> memref<128xi32, #tpu.memory_space<vmem>>
      %dma_wait3A_76 = arith.constant 0 : i32
      %dma_wait3A_77 = arith.constant 0 : i32
      %dma_wait3A_78 = tpu.memref_slice %arg4[%dma_wait3A_76, %dma_wait3A_77] : memref<20000x128xf32, #tpu.memory_space<hbm>> -> memref<20000x128xf32, #tpu.memory_space<hbm>>
      tpu.wait_indirect_dma semaphore(%arg11 : memref<!tpu.dma_semaphore, #tpu.memory_space<semaphore_mem>>) src(%dma_wait3A_78 : memref<20000x128xf32, #tpu.memory_space<hbm>>) dst(%arg9 : memref<128x128xf32, #tpu.memory_space<vmem>>)
      "tpu.region"() ({
        %run_scoped3A = tpu.sem_alloc : memref<!tpu.dma_semaphore, #tpu.memory_space<semaphore_mem>>
        %dma_start3A_99 = arith.constant 0 : i32
        %dma_start3A_100 = tpu.memref_slice %arg8[%add3A_72, %dma_start3A_99] : memref<40x128xi32, #tpu.memory_space<vmem>> -> memref<1x128xi32, #tpu.memory_space<vmem>>
        %dma_start3A_101 = tpu.memref_squeeze %dma_start3A_100 : memref<1x128xi32, #tpu.memory_space<vmem>> -> memref<128xi32, #tpu.memory_space<vmem>>
        %dma_start3A_102 = arith.constant 0 : i32
        %dma_start3A_103 = arith.constant 0 : i32
        %dma_start3A_104 = tpu.memref_slice %arg13[%dma_start3A_102, %dma_start3A_103] : memref<10112x128xf32, #tpu.memory_space<vmem_shared>> -> memref<10112x128xf32, #tpu.memory_space<vmem_shared>>
        tpu.enqueue_indirect_dma source(%arg9 : memref<128x128xf32, #tpu.memory_space<vmem>>) target(%dma_start3A_104 : memref<10112x128xf32, #tpu.memory_space<vmem_shared>>) offsets(%dma_start3A_101 : memref<128xi32, #tpu.memory_space<vmem>>) semaphore(%run_scoped3A : memref<!tpu.dma_semaphore, #tpu.memory_space<semaphore_mem>>) {add = true}
        %dma_wait3A_105 = arith.constant 0 : i32
        %dma_wait3A_106 = tpu.memref_slice %arg8[%add3A_72, %dma_wait3A_105] : memref<40x128xi32, #tpu.memory_space<vmem>> -> memref<1x128xi32, #tpu.memory_space<vmem>>
        %dma_wait3A_107 = tpu.memref_squeeze %dma_wait3A_106 : memref<1x128xi32, #tpu.memory_space<vmem>> -> memref<128xi32, #tpu.memory_space<vmem>>
        %dma_wait3A_108 = arith.constant 0 : i32
        %dma_wait3A_109 = arith.constant 0 : i32
        %dma_wait3A_110 = tpu.memref_slice %arg13[%dma_wait3A_108, %dma_wait3A_109] : memref<10112x128xf32, #tpu.memory_space<vmem_shared>> -> memref<10112x128xf32, #tpu.memory_space<vmem_shared>>
        tpu.wait_indirect_dma semaphore(%run_scoped3A : memref<!tpu.dma_semaphore, #tpu.memory_space<semaphore_mem>>) src(%arg9 : memref<128x128xf32, #tpu.memory_space<vmem>>) dst(%dma_wait3A_110 : memref<10112x128xf32, #tpu.memory_space<vmem_shared>>)
        tpu.yield
      }) : () -> ()
      %lt3A_79 = arith.constant 19 : i32
      %lt3A_80 = arith.cmpi slt, %scan3A_68, %lt3A_79 : i32
      %convert_element_type3A_81 = arith.extui %lt3A_80 : i1 to i32
      %cond3A_82 = arith.constant 0 : i32
      %cond3A_83 = arith.cmpi ne, %convert_element_type3A_81, %cond3A_82 : i32
      scf.if %cond3A_83 {
        %add3A_99 = arith.constant 2 : i32
        %add3A_100 = arith.addi %add3A_72, %add3A_99 : i32
        %dma_start3A_101 = arith.constant 0 : i32
        %dma_start3A_102 = tpu.memref_slice %arg7[%add3A_100, %dma_start3A_101] : memref<40x128xi32, #tpu.memory_space<vmem>> -> memref<1x128xi32, #tpu.memory_space<vmem>>
        %dma_start3A_103 = tpu.memref_squeeze %dma_start3A_102 : memref<1x128xi32, #tpu.memory_space<vmem>> -> memref<128xi32, #tpu.memory_space<vmem>>
        %dma_start3A_104 = arith.constant 0 : i32
        %dma_start3A_105 = arith.constant 0 : i32
        %dma_start3A_106 = tpu.memref_slice %arg4[%dma_start3A_104, %dma_start3A_105] : memref<20000x128xf32, #tpu.memory_space<hbm>> -> memref<20000x128xf32, #tpu.memory_space<hbm>>
        tpu.enqueue_indirect_dma source(%dma_start3A_106 : memref<20000x128xf32, #tpu.memory_space<hbm>>) target(%arg9 : memref<128x128xf32, #tpu.memory_space<vmem>>) offsets(%dma_start3A_103 : memref<128xi32, #tpu.memory_space<vmem>>) semaphore(%arg11 : memref<!tpu.dma_semaphore, #tpu.memory_space<semaphore_mem>>)
      } else {
      }
      %mul3A_84 = arith.constant 2 : i32
      %mul3A_85 = arith.muli %scan3A_68, %mul3A_84 : i32
      %add3A_86 = arith.constant 1 : i32
      %add3A_87 = arith.addi %mul3A_85, %add3A_86 : i32
      %dma_wait3A_88 = arith.constant 0 : i32
      %dma_wait3A_89 = tpu.memref_slice %arg7[%add3A_87, %dma_wait3A_88] : memref<40x128xi32, #tpu.memory_space<vmem>> -> memref<1x128xi32, #tpu.memory_space<vmem>>
      %dma_wait3A_90 = tpu.memref_squeeze %dma_wait3A_89 : memref<1x128xi32, #tpu.memory_space<vmem>> -> memref<128xi32, #tpu.memory_space<vmem>>
      %dma_wait3A_91 = arith.constant 0 : i32
      %dma_wait3A_92 = arith.constant 0 : i32
      %dma_wait3A_93 = tpu.memref_slice %arg4[%dma_wait3A_91, %dma_wait3A_92] : memref<20000x128xf32, #tpu.memory_space<hbm>> -> memref<20000x128xf32, #tpu.memory_space<hbm>>
      tpu.wait_indirect_dma semaphore(%arg12 : memref<!tpu.dma_semaphore, #tpu.memory_space<semaphore_mem>>) src(%dma_wait3A_93 : memref<20000x128xf32, #tpu.memory_space<hbm>>) dst(%arg10 : memref<128x128xf32, #tpu.memory_space<vmem>>)
      "tpu.region"() ({
        %run_scoped3A = tpu.sem_alloc : memref<!tpu.dma_semaphore, #tpu.memory_space<semaphore_mem>>
        %dma_start3A_99 = arith.constant 0 : i32
        %dma_start3A_100 = tpu.memref_slice %arg8[%add3A_87, %dma_start3A_99] : memref<40x128xi32, #tpu.memory_space<vmem>> -> memref<1x128xi32, #tpu.memory_space<vmem>>
        %dma_start3A_101 = tpu.memref_squeeze %dma_start3A_100 : memref<1x128xi32, #tpu.memory_space<vmem>> -> memref<128xi32, #tpu.memory_space<vmem>>
        %dma_start3A_102 = arith.constant 0 : i32
        %dma_start3A_103 = arith.constant 0 : i32
        %dma_start3A_104 = tpu.memref_slice %arg13[%dma_start3A_102, %dma_start3A_103] : memref<10112x128xf32, #tpu.memory_space<vmem_shared>> -> memref<10112x128xf32, #tpu.memory_space<vmem_shared>>
        tpu.enqueue_indirect_dma source(%arg10 : memref<128x128xf32, #tpu.memory_space<vmem>>) target(%dma_start3A_104 : memref<10112x128xf32, #tpu.memory_space<vmem_shared>>) offsets(%dma_start3A_101 : memref<128xi32, #tpu.memory_space<vmem>>) semaphore(%run_scoped3A : memref<!tpu.dma_semaphore, #tpu.memory_space<semaphore_mem>>) {add = true}
        %dma_wait3A_105 = arith.constant 0 : i32
        %dma_wait3A_106 = tpu.memref_slice %arg8[%add3A_87, %dma_wait3A_105] : memref<40x128xi32, #tpu.memory_space<vmem>> -> memref<1x128xi32, #tpu.memory_space<vmem>>
        %dma_wait3A_107 = tpu.memref_squeeze %dma_wait3A_106 : memref<1x128xi32, #tpu.memory_space<vmem>> -> memref<128xi32, #tpu.memory_space<vmem>>
        %dma_wait3A_108 = arith.constant 0 : i32
        %dma_wait3A_109 = arith.constant 0 : i32
        %dma_wait3A_110 = tpu.memref_slice %arg13[%dma_wait3A_108, %dma_wait3A_109] : memref<10112x128xf32, #tpu.memory_space<vmem_shared>> -> memref<10112x128xf32, #tpu.memory_space<vmem_shared>>
        tpu.wait_indirect_dma semaphore(%run_scoped3A : memref<!tpu.dma_semaphore, #tpu.memory_space<semaphore_mem>>) src(%arg10 : memref<128x128xf32, #tpu.memory_space<vmem>>) dst(%dma_wait3A_110 : memref<10112x128xf32, #tpu.memory_space<vmem_shared>>)
        tpu.yield
      }) : () -> ()
      %lt3A_94 = arith.constant 19 : i32
      %lt3A_95 = arith.cmpi slt, %scan3A_68, %lt3A_94 : i32
      %convert_element_type3A_96 = arith.extui %lt3A_95 : i1 to i32
      %cond3A_97 = arith.constant 0 : i32
      %cond3A_98 = arith.cmpi ne, %convert_element_type3A_96, %cond3A_97 : i32
      scf.if %cond3A_98 {
        %add3A_99 = arith.constant 2 : i32
        %add3A_100 = arith.addi %add3A_87, %add3A_99 : i32
        %dma_start3A_101 = arith.constant 0 : i32
        %dma_start3A_102 = tpu.memref_slice %arg7[%add3A_100, %dma_start3A_101] : memref<40x128xi32, #tpu.memory_space<vmem>> -> memref<1x128xi32, #tpu.memory_space<vmem>>
        %dma_start3A_103 = tpu.memref_squeeze %dma_start3A_102 : memref<1x128xi32, #tpu.memory_space<vmem>> -> memref<128xi32, #tpu.memory_space<vmem>>
        %dma_start3A_104 = arith.constant 0 : i32
        %dma_start3A_105 = arith.constant 0 : i32
        %dma_start3A_106 = tpu.memref_slice %arg4[%dma_start3A_104, %dma_start3A_105] : memref<20000x128xf32, #tpu.memory_space<hbm>> -> memref<20000x128xf32, #tpu.memory_space<hbm>>
        tpu.enqueue_indirect_dma source(%dma_start3A_106 : memref<20000x128xf32, #tpu.memory_space<hbm>>) target(%arg10 : memref<128x128xf32, #tpu.memory_space<vmem>>) offsets(%dma_start3A_103 : memref<128xi32, #tpu.memory_space<vmem>>) semaphore(%arg12 : memref<!tpu.dma_semaphore, #tpu.memory_space<semaphore_mem>>)
      } else {
      }
    }
    %scan3A_58 = arith.constant 20 : i32
    %barrier3A_59 = arith.constant 0 : index
    tpu.barrier barrier_id(%barrier3A_59)
    %mul3A_60 = arith.constant 632 : i32
    %mul3A_61 = arith.muli %arg1, %mul3A_60 : i32
    %lt3A = arith.constant 15 : i32
    %lt3A_62 = arith.cmpi slt, %arg1, %lt3A : i32
    %convert_element_type3A = arith.extui %lt3A_62 : i1 to i32
    %cond3A = arith.constant 0 : i32
    %cond3A_63 = arith.cmpi ne, %convert_element_type3A, %cond3A : i32
    scf.if %cond3A_63 {
      %mul3A_68 = arith.constant 10000 : i32
      %mul3A_69 = arith.muli %arg0, %mul3A_68 : i32
      %add3A_70 = arith.addi %mul3A_69, %mul3A_61 : i32
      "tpu.region"() ({
        %run_scoped3A = tpu.sem_alloc : memref<!tpu.dma_semaphore, #tpu.memory_space<semaphore_mem>>
        %dma_start3A_71 = arith.constant 0 : i32
        %dma_start3A_72 = tpu.memref_slice %arg6[%add3A_70, %dma_start3A_71] : memref<20000x128xf32, #tpu.memory_space<hbm>> -> memref<632x128xf32, #tpu.memory_space<hbm>>
        %dma_start3A_73 = arith.constant 0 : i32
        %dma_start3A_74 = tpu.memref_slice %arg13[%mul3A_61, %dma_start3A_73] : memref<10112x128xf32, #tpu.memory_space<vmem_shared>> -> memref<632x128xf32, #tpu.memory_space<vmem_shared>>
        tpu.enqueue_dma source(%dma_start3A_74 : memref<632x128xf32, #tpu.memory_space<vmem_shared>>) target(%dma_start3A_72 : memref<632x128xf32, #tpu.memory_space<hbm>>) target_semaphore(%run_scoped3A : memref<!tpu.dma_semaphore, #tpu.memory_space<semaphore_mem>>)
        %dma_wait3A_75 = arith.constant 0 : i32
        %dma_wait3A_76 = tpu.memref_slice %arg6[%add3A_70, %dma_wait3A_75] : memref<20000x128xf32, #tpu.memory_space<hbm>> -> memref<632x128xf32, #tpu.memory_space<hbm>>
        %dma_wait3A_77 = arith.constant 0 : i32
        %dma_wait3A_78 = tpu.memref_slice %arg13[%mul3A_61, %dma_wait3A_77] : memref<10112x128xf32, #tpu.memory_space<vmem_shared>> -> memref<632x128xf32, #tpu.memory_space<vmem_shared>>
        tpu.wait_dma2 semaphore(%run_scoped3A : memref<!tpu.dma_semaphore, #tpu.memory_space<semaphore_mem>>) src(%dma_wait3A_78 : memref<632x128xf32, #tpu.memory_space<vmem_shared>>) dst(%dma_wait3A_76 : memref<632x128xf32, #tpu.memory_space<hbm>>)
        tpu.yield
      }) : () -> ()
    } else {
    }
    %eq3A = arith.constant 15 : i32
    %eq3A_64 = arith.cmpi eq, %arg1, %eq3A : i32
    %convert_element_type3A_65 = arith.extui %eq3A_64 : i1 to i32
    %cond3A_66 = arith.constant 0 : i32
    %cond3A_67 = arith.cmpi ne, %convert_element_type3A_65, %cond3A_66 : i32
    scf.if %cond3A_67 {
      %mul3A_68 = arith.constant 10000 : i32
      %mul3A_69 = arith.muli %arg0, %mul3A_68 : i32
      %add3A_70 = arith.addi %mul3A_69, %mul3A_61 : i32
      "tpu.region"() ({
        %run_scoped3A = tpu.sem_alloc : memref<!tpu.dma_semaphore, #tpu.memory_space<semaphore_mem>>
        %dma_start3A_71 = arith.constant 0 : i32
        %dma_start3A_72 = tpu.memref_slice %arg6[%add3A_70, %dma_start3A_71] : memref<20000x128xf32, #tpu.memory_space<hbm>> -> memref<520x128xf32, #tpu.memory_space<hbm>>
        %dma_start3A_73 = arith.constant 0 : i32
        %dma_start3A_74 = tpu.memref_slice %arg13[%mul3A_61, %dma_start3A_73] : memref<10112x128xf32, #tpu.memory_space<vmem_shared>> -> memref<520x128xf32, #tpu.memory_space<vmem_shared>>
        tpu.enqueue_dma source(%dma_start3A_74 : memref<520x128xf32, #tpu.memory_space<vmem_shared>>) target(%dma_start3A_72 : memref<520x128xf32, #tpu.memory_space<hbm>>) target_semaphore(%run_scoped3A : memref<!tpu.dma_semaphore, #tpu.memory_space<semaphore_mem>>)
        %dma_wait3A_75 = arith.constant 0 : i32
        %dma_wait3A_76 = tpu.memref_slice %arg6[%add3A_70, %dma_wait3A_75] : memref<20000x128xf32, #tpu.memory_space<hbm>> -> memref<520x128xf32, #tpu.memory_space<hbm>>
        %dma_wait3A_77 = arith.constant 0 : i32
        %dma_wait3A_78 = tpu.memref_slice %arg13[%mul3A_61, %dma_wait3A_77] : memref<10112x128xf32, #tpu.memory_space<vmem_shared>> -> memref<520x128xf32, #tpu.memory_space<vmem_shared>>
        tpu.wait_dma2 semaphore(%run_scoped3A : memref<!tpu.dma_semaphore, #tpu.memory_space<semaphore_mem>>) src(%dma_wait3A_78 : memref<520x128xf32, #tpu.memory_space<vmem_shared>>) dst(%dma_wait3A_76 : memref<520x128xf32, #tpu.memory_space<hbm>>)
        tpu.yield
      }) : () -> ()
    } else {
    }
    return
  }
}

module attributes {stable_mosaic.version = 14 : i64} {
  func.func @_b1_body(%arg0: i32, %arg1: memref<1024x256xf32, #tpu.memory_space<vmem>>, %arg2: memref<256x256xf32, #tpu.memory_space<vmem>>, %arg3: memref<32x1024xf32, #tpu.memory_space<vmem>>, %arg4: memref<2x1024x128xf32, #tpu.memory_space<vmem>>, %arg5: memref<1024x1xf32, #tpu.memory_space<vmem>>) attributes {dimension_semantics = [#tpu.dimension_semantics<arbitrary>], iteration_bounds = array<i64: 10>, scalar_prefetch = 0 : i64, scratch_operands = 0 : i64, tpu.core_type = #tpu.core_type<tc>, window_params = [{transform_indices = @transform_0, window_bounds = array<i64: 1024, 256>}, {pipeline_mode = #tpu.pipeline_mode<synchronous>, transform_indices = @transform_1, window_bounds = array<i64: 256, 256>}, {transform_indices = @transform_2, window_bounds = array<i64: 32, 1024>}, {transform_indices = @transform_3, window_bounds = array<i64: 2, 1024, 128>}, {transform_indices = @transform_4, window_bounds = array<i64: 1024, 1>}]} {
    %get3A = arith.constant 0 : index
    %get3A_0 = arith.constant 0 : index
    %get3A_1 = vector.load %arg3[%get3A, %get3A_0] : memref<32x1024xf32, #tpu.memory_space<vmem>>, vector<32x1024xf32>
    %reduce_sum3A = arith.constant dense<0.000000e+00> : vector<1024xf32>
    %reduce_sum3A_2 = vector.multi_reduction <add>, %get3A_1, %reduce_sum3A [0] : vector<32x1024xf32> to vector<1024xf32>
    %add3A = arith.constant 1.000000e+00 : f32
    %add3A_3 = vector.broadcast %add3A : f32 to vector<1024xf32>
    %add3A_4 = arith.addf %reduce_sum3A_2, %add3A_3 : vector<1024xf32>
    %max3A = arith.constant 9.99999996E-13 : f32
    %max3A_5 = vector.broadcast %max3A : f32 to vector<1024xf32>
    %max3A_6 = arith.maximumf %add3A_4, %max3A_5 : vector<1024xf32>
    %rsqrt3A = math.rsqrt %max3A_6 : vector<1024xf32>
    %broadcast_in_dim3A = vector.shape_cast %rsqrt3A : vector<1024xf32> to vector<1024x1xf32>
    %get3A_7 = arith.constant 0 : index
    %get3A_8 = arith.constant 0 : index
    %get3A_9 = vector.load %arg1[%get3A_7, %get3A_8] : memref<1024x256xf32, #tpu.memory_space<vmem>>, vector<1024x256xf32>
    %get3A_10 = arith.constant 0 : index
    %get3A_11 = arith.constant 0 : index
    %get3A_12 = vector.load %arg2[%get3A_10, %get3A_11] : memref<256x256xf32, #tpu.memory_space<vmem>>, vector<256x256xf32>
    %dot_general3A = arith.constant dense<0.000000e+00> : vector<1024x256xf32>
    %dot_general3A_13 = tpu.matmul %get3A_9, %get3A_12, %dot_general3A {dimension_numbers = #tpu.dot_dimension_numbers<[1], [0], [0], [1], [0, 0, 1, 1], [], []>, transpose_lhs_hint = false} : vector<1024x256xf32>, vector<256x256xf32>, vector<1024x256xf32> -> vector<1024x256xf32>
    %mul3A = vector.broadcast %broadcast_in_dim3A : vector<1024x1xf32> to vector<1024x256xf32>
    %mul3A_14 = arith.mulf %dot_general3A_13, %mul3A : vector<1024x256xf32>
    %slice3A = vector.extract_strided_slice %mul3A_14 {offsets = [0, 0], sizes = [1024, 128], strides = [1, 1]} : vector<1024x256xf32> to vector<1024x128xf32>
    %swap3A = arith.constant 0 : index
    %swap3A_15 = arith.constant 0 : index
    %swap3A_16 = arith.constant 0 : index
    %swap3A_17 = vector.load %arg4[%swap3A, %swap3A_15, %swap3A_16] : memref<2x1024x128xf32, #tpu.memory_space<vmem>>, vector<1x1024x128xf32>
    %swap3A_18 = vector.shape_cast %swap3A_17 : vector<1x1024x128xf32> to vector<1024x128xf32>
    %swap3A_19 = vector.shape_cast %slice3A : vector<1024x128xf32> to vector<1x1024x128xf32>
    tpu.vector_store %arg4[%swap3A, %swap3A_15, %swap3A_16], %swap3A_19 {strides = array<i32>} : memref<2x1024x128xf32, #tpu.memory_space<vmem>>, vector<1x1024x128xf32>,
    %slice3A_20 = vector.extract_strided_slice %mul3A_14 {offsets = [0, 128], sizes = [1024, 128], strides = [1, 1]} : vector<1024x256xf32> to vector<1024x128xf32>
    %swap3A_21 = arith.constant 1 : index
    %swap3A_22 = arith.constant 0 : index
    %swap3A_23 = arith.constant 0 : index
    %swap3A_24 = vector.load %arg4[%swap3A_21, %swap3A_22, %swap3A_23] : memref<2x1024x128xf32, #tpu.memory_space<vmem>>, vector<1x1024x128xf32>
    %swap3A_25 = vector.shape_cast %swap3A_24 : vector<1x1024x128xf32> to vector<1024x128xf32>
    %swap3A_26 = vector.shape_cast %slice3A_20 : vector<1024x128xf32> to vector<1x1024x128xf32>
    tpu.vector_store %arg4[%swap3A_21, %swap3A_22, %swap3A_23], %swap3A_26 {strides = array<i32>} : memref<2x1024x128xf32, #tpu.memory_space<vmem>>, vector<1x1024x128xf32>,
    %swap3A_27 = arith.constant 0 : index
    %swap3A_28 = arith.constant 0 : index
    %swap3A_29 = vector.load %arg5[%swap3A_27, %swap3A_28] : memref<1024x1xf32, #tpu.memory_space<vmem>>, vector<1024x1xf32>
    tpu.vector_store %arg5[%swap3A_27, %swap3A_28], %broadcast_in_dim3A {strides = array<i32>} : memref<1024x1xf32, #tpu.memory_space<vmem>>, vector<1024x1xf32>,
    return
  }
  func.func @transform_0(%arg0: i32) -> (i32, i32) {
    %c0_i32 = arith.constant 0 : i32
    %c0_i32_0 = arith.constant 0 : i32
    return %arg0, %c0_i32 : i32, i32
  }
  func.func @transform_1(%arg0: i32) -> (i32, i32) {
    %c0_i32 = arith.constant 0 : i32
    %c0_i32_0 = arith.constant 0 : i32
    %c0_i32_1 = arith.constant 0 : i32
    return %c0_i32, %c0_i32_0 : i32, i32
  }
  func.func @transform_2(%arg0: i32) -> (i32, i32) {
    %c0_i32 = arith.constant 0 : i32
    %c0_i32_0 = arith.constant 0 : i32
    return %c0_i32, %arg0 : i32, i32
  }
  func.func @transform_3(%arg0: i32) -> (i32, i32, i32) {
    %c0_i32 = arith.constant 0 : i32
    %c0_i32_0 = arith.constant 0 : i32
    %c0_i32_1 = arith.constant 0 : i32
    return %c0_i32, %arg0, %c0_i32_0 : i32, i32, i32
  }
  func.func @transform_4(%arg0: i32) -> (i32, i32) {
    %c0_i32 = arith.constant 0 : i32
    %c0_i32_0 = arith.constant 0 : i32
    return %arg0, %c0_i32 : i32, i32
  }
}

module attributes {stable_mosaic.version = 14 : i64} {
  func.func @_b2_body(%arg0: i32, %arg1: memref<2x1024x128xf32, #tpu.memory_space<vmem>>, %arg2: memref<2x1024x128xf32, #tpu.memory_space<vmem>>, %arg3: memref<1024x1xf32, #tpu.memory_space<vmem>>, %arg4: memref<256xf32, #tpu.memory_space<vmem>>, %arg5: memref<256x256xf32, #tpu.memory_space<vmem>>, %arg6: memref<2x1024x128xf32, #tpu.memory_space<vmem>>) attributes {dimension_semantics = [#tpu.dimension_semantics<arbitrary>], iteration_bounds = array<i64: 10>, scalar_prefetch = 0 : i64, scratch_operands = 0 : i64, tpu.core_type = #tpu.core_type<tc>, window_params = [{transform_indices = @transform_0, window_bounds = array<i64: 2, 1024, 128>}, {transform_indices = @transform_1, window_bounds = array<i64: 2, 1024, 128>}, {transform_indices = @transform_2, window_bounds = array<i64: 1024, 1>}, {pipeline_mode = #tpu.pipeline_mode<synchronous>, transform_indices = @transform_3, window_bounds = array<i64: 256>}, {pipeline_mode = #tpu.pipeline_mode<synchronous>, transform_indices = @transform_4, window_bounds = array<i64: 256, 256>}, {transform_indices = @transform_5, window_bounds = array<i64: 2, 1024, 128>}]} {
    %get3A = arith.constant 0 : index
    %get3A_0 = arith.constant 0 : index
    %get3A_1 = vector.load %arg3[%get3A, %get3A_0] : memref<1024x1xf32, #tpu.memory_space<vmem>>, vector<1024x1xf32>
    %get3A_2 = arith.constant 0 : index
    %get3A_3 = arith.constant 0 : index
    %get3A_4 = arith.constant 0 : index
    %get3A_5 = vector.load %arg1[%get3A_2, %get3A_3, %get3A_4] : memref<2x1024x128xf32, #tpu.memory_space<vmem>>, vector<1x1024x128xf32>
    %get3A_6 = vector.shape_cast %get3A_5 : vector<1x1024x128xf32> to vector<1024x128xf32>
    %get3A_7 = arith.constant 0 : index
    %get3A_8 = arith.constant 0 : index
    %get3A_9 = arith.constant 0 : index
    %get3A_10 = vector.load %arg2[%get3A_7, %get3A_8, %get3A_9] : memref<2x1024x128xf32, #tpu.memory_space<vmem>>, vector<1x1024x128xf32>
    %get3A_11 = vector.shape_cast %get3A_10 : vector<1x1024x128xf32> to vector<1024x128xf32>
    %add3A = arith.addf %get3A_6, %get3A_11 : vector<1024x128xf32>
    %get3A_12 = arith.constant 1 : index
    %get3A_13 = arith.constant 0 : index
    %get3A_14 = arith.constant 0 : index
    %get3A_15 = vector.load %arg1[%get3A_12, %get3A_13, %get3A_14] : memref<2x1024x128xf32, #tpu.memory_space<vmem>>, vector<1x1024x128xf32>
    %get3A_16 = vector.shape_cast %get3A_15 : vector<1x1024x128xf32> to vector<1024x128xf32>
    %get3A_17 = arith.constant 1 : index
    %get3A_18 = arith.constant 0 : index
    %get3A_19 = arith.constant 0 : index
    %get3A_20 = vector.load %arg2[%get3A_17, %get3A_18, %get3A_19] : memref<2x1024x128xf32, #tpu.memory_space<vmem>>, vector<1x1024x128xf32>
    %get3A_21 = vector.shape_cast %get3A_20 : vector<1x1024x128xf32> to vector<1024x128xf32>
    %add3A_22 = arith.addf %get3A_16, %get3A_21 : vector<1024x128xf32>
    %concatenate3A = tpu.concatenate %add3A, %add3A_22 in 1 : vector<1024x128xf32>, vector<1024x128xf32> -> vector<1024x256xf32>
    %mul3A = vector.broadcast %get3A_1 : vector<1024x1xf32> to vector<1024x256xf32>
    %mul3A_23 = arith.mulf %mul3A, %concatenate3A : vector<1024x256xf32>
    %get3A_24 = arith.constant 0 : index
    %get3A_25 = vector.load %arg4[%get3A_24] : memref<256xf32, #tpu.memory_space<vmem>>, vector<256xf32>
    %broadcast_in_dim3A = vector.shape_cast %get3A_25 : vector<256xf32> to vector<1x256xf32>
    %add3A_26 = vector.broadcast %broadcast_in_dim3A : vector<1x256xf32> to vector<1024x256xf32>
    %add3A_27 = arith.addf %mul3A_23, %add3A_26 : vector<1024x256xf32>
    %max3A = arith.constant 0.000000e+00 : f32
    %max3A_28 = vector.broadcast %max3A : f32 to vector<1024x256xf32>
    %max3A_29 = arith.maximumf %add3A_27, %max3A_28 : vector<1024x256xf32>
    %get3A_30 = arith.constant 0 : index
    %get3A_31 = arith.constant 0 : index
    %get3A_32 = vector.load %arg5[%get3A_30, %get3A_31] : memref<256x256xf32, #tpu.memory_space<vmem>>, vector<256x256xf32>
    %dot_general3A = arith.constant dense<0.000000e+00> : vector<1024x256xf32>
    %dot_general3A_33 = tpu.matmul %max3A_29, %get3A_32, %dot_general3A {dimension_numbers = #tpu.dot_dimension_numbers<[1], [0], [0], [1], [0, 0, 1, 1], [], []>, transpose_lhs_hint = false} : vector<1024x256xf32>, vector<256x256xf32>, vector<1024x256xf32> -> vector<1024x256xf32>
    %mul3A_34 = vector.broadcast %get3A_1 : vector<1024x1xf32> to vector<1024x256xf32>
    %mul3A_35 = arith.mulf %dot_general3A_33, %mul3A_34 : vector<1024x256xf32>
    %slice3A = vector.extract_strided_slice %mul3A_35 {offsets = [0, 0], sizes = [1024, 128], strides = [1, 1]} : vector<1024x256xf32> to vector<1024x128xf32>
    %swap3A = arith.constant 0 : index
    %swap3A_36 = arith.constant 0 : index
    %swap3A_37 = arith.constant 0 : index
    %swap3A_38 = vector.load %arg6[%swap3A, %swap3A_36, %swap3A_37] : memref<2x1024x128xf32, #tpu.memory_space<vmem>>, vector<1x1024x128xf32>
    %swap3A_39 = vector.shape_cast %swap3A_38 : vector<1x1024x128xf32> to vector<1024x128xf32>
    %swap3A_40 = vector.shape_cast %slice3A : vector<1024x128xf32> to vector<1x1024x128xf32>
    tpu.vector_store %arg6[%swap3A, %swap3A_36, %swap3A_37], %swap3A_40 {strides = array<i32>} : memref<2x1024x128xf32, #tpu.memory_space<vmem>>, vector<1x1024x128xf32>,
    %slice3A_41 = vector.extract_strided_slice %mul3A_35 {offsets = [0, 128], sizes = [1024, 128], strides = [1, 1]} : vector<1024x256xf32> to vector<1024x128xf32>
    %swap3A_42 = arith.constant 1 : index
    %swap3A_43 = arith.constant 0 : index
    %swap3A_44 = arith.constant 0 : index
    %swap3A_45 = vector.load %arg6[%swap3A_42, %swap3A_43, %swap3A_44] : memref<2x1024x128xf32, #tpu.memory_space<vmem>>, vector<1x1024x128xf32>
    %swap3A_46 = vector.shape_cast %swap3A_45 : vector<1x1024x128xf32> to vector<1024x128xf32>
    %swap3A_47 = vector.shape_cast %slice3A_41 : vector<1024x128xf32> to vector<1x1024x128xf32>
    tpu.vector_store %arg6[%swap3A_42, %swap3A_43, %swap3A_44], %swap3A_47 {strides = array<i32>} : memref<2x1024x128xf32, #tpu.memory_space<vmem>>, vector<1x1024x128xf32>,
    return
  }
  func.func @transform_0(%arg0: i32) -> (i32, i32, i32) {
    %c0_i32 = arith.constant 0 : i32
    %c0_i32_0 = arith.constant 0 : i32
    %c0_i32_1 = arith.constant 0 : i32
    return %c0_i32, %arg0, %c0_i32_0 : i32, i32, i32
  }
  func.func @transform_1(%arg0: i32) -> (i32, i32, i32) {
    %c0_i32 = arith.constant 0 : i32
    %c0_i32_0 = arith.constant 0 : i32
    %c0_i32_1 = arith.constant 0 : i32
    return %c0_i32, %arg0, %c0_i32_0 : i32, i32, i32
  }
  func.func @transform_2(%arg0: i32) -> (i32, i32) {
    %c0_i32 = arith.constant 0 : i32
    %c0_i32_0 = arith.constant 0 : i32
    return %arg0, %c0_i32 : i32, i32
  }
  func.func @transform_3(%arg0: i32) -> i32 {
    %c0_i32 = arith.constant 0 : i32
    %c0_i32_0 = arith.constant 0 : i32
    return %c0_i32 : i32
  }
  func.func @transform_4(%arg0: i32) -> (i32, i32) {
    %c0_i32 = arith.constant 0 : i32
    %c0_i32_0 = arith.constant 0 : i32
    %c0_i32_1 = arith.constant 0 : i32
    return %c0_i32, %c0_i32_0 : i32, i32
  }
  func.func @transform_5(%arg0: i32) -> (i32, i32, i32) {
    %c0_i32 = arith.constant 0 : i32
    %c0_i32_0 = arith.constant 0 : i32
    %c0_i32_1 = arith.constant 0 : i32
    return %c0_i32, %arg0, %c0_i32_0 : i32, i32, i32
  }
}

module attributes {stable_mosaic.version = 14 : i64} {
  func.func @_b3_body(%arg0: i32, %arg1: memref<2x1024x128xf32, #tpu.memory_space<vmem>>, %arg2: memref<2x1024x128xf32, #tpu.memory_space<vmem>>, %arg3: memref<1024x1xf32, #tpu.memory_space<vmem>>, %arg4: memref<256xf32, #tpu.memory_space<vmem>>, %arg5: memref<256x1xf32, #tpu.memory_space<vmem>>, %arg6: memref<1024x1xf32, #tpu.memory_space<vmem>>, %arg7: memref<1x1xf32, #tpu.memory_space<vmem>>) attributes {dimension_semantics = [#tpu.dimension_semantics<arbitrary>], iteration_bounds = array<i64: 10>, scalar_prefetch = 0 : i64, scratch_operands = 0 : i64, tpu.core_type = #tpu.core_type<tc>, window_params = [{transform_indices = @transform_0, window_bounds = array<i64: 2, 1024, 128>}, {transform_indices = @transform_1, window_bounds = array<i64: 2, 1024, 128>}, {transform_indices = @transform_2, window_bounds = array<i64: 1024, 1>}, {pipeline_mode = #tpu.pipeline_mode<synchronous>, transform_indices = @transform_3, window_bounds = array<i64: 256>}, {pipeline_mode = #tpu.pipeline_mode<synchronous>, transform_indices = @transform_4, window_bounds = array<i64: 256, 1>}, {transform_indices = @transform_5, window_bounds = array<i64: 1024, 1>}, {pipeline_mode = #tpu.pipeline_mode<synchronous>, transform_indices = @transform_6, window_bounds = array<i64: 1, 1>}]} {
    %get3A = arith.constant 0 : index
    %get3A_0 = arith.constant 0 : index
    %get3A_1 = vector.load %arg3[%get3A, %get3A_0] : memref<1024x1xf32, #tpu.memory_space<vmem>>, vector<1024x1xf32>
    %get3A_2 = arith.constant 0 : index
    %get3A_3 = arith.constant 0 : index
    %get3A_4 = arith.constant 0 : index
    %get3A_5 = vector.load %arg1[%get3A_2, %get3A_3, %get3A_4] : memref<2x1024x128xf32, #tpu.memory_space<vmem>>, vector<1x1024x128xf32>
    %get3A_6 = vector.shape_cast %get3A_5 : vector<1x1024x128xf32> to vector<1024x128xf32>
    %get3A_7 = arith.constant 0 : index
    %get3A_8 = arith.constant 0 : index
    %get3A_9 = arith.constant 0 : index
    %get3A_10 = vector.load %arg2[%get3A_7, %get3A_8, %get3A_9] : memref<2x1024x128xf32, #tpu.memory_space<vmem>>, vector<1x1024x128xf32>
    %get3A_11 = vector.shape_cast %get3A_10 : vector<1x1024x128xf32> to vector<1024x128xf32>
    %add3A = arith.addf %get3A_6, %get3A_11 : vector<1024x128xf32>
    %get3A_12 = arith.constant 1 : index
    %get3A_13 = arith.constant 0 : index
    %get3A_14 = arith.constant 0 : index
    %get3A_15 = vector.load %arg1[%get3A_12, %get3A_13, %get3A_14] : memref<2x1024x128xf32, #tpu.memory_space<vmem>>, vector<1x1024x128xf32>
    %get3A_16 = vector.shape_cast %get3A_15 : vector<1x1024x128xf32> to vector<1024x128xf32>
    %get3A_17 = arith.constant 1 : index
    %get3A_18 = arith.constant 0 : index
    %get3A_19 = arith.constant 0 : index
    %get3A_20 = vector.load %arg2[%get3A_17, %get3A_18, %get3A_19] : memref<2x1024x128xf32, #tpu.memory_space<vmem>>, vector<1x1024x128xf32>
    %get3A_21 = vector.shape_cast %get3A_20 : vector<1x1024x128xf32> to vector<1024x128xf32>
    %add3A_22 = arith.addf %get3A_16, %get3A_21 : vector<1024x128xf32>
    %concatenate3A = tpu.concatenate %add3A, %add3A_22 in 1 : vector<1024x128xf32>, vector<1024x128xf32> -> vector<1024x256xf32>
    %mul3A = vector.broadcast %get3A_1 : vector<1024x1xf32> to vector<1024x256xf32>
    %mul3A_23 = arith.mulf %mul3A, %concatenate3A : vector<1024x256xf32>
    %get3A_24 = arith.constant 0 : index
    %get3A_25 = vector.load %arg4[%get3A_24] : memref<256xf32, #tpu.memory_space<vmem>>, vector<256xf32>
    %broadcast_in_dim3A = vector.shape_cast %get3A_25 : vector<256xf32> to vector<1x256xf32>
    %add3A_26 = vector.broadcast %broadcast_in_dim3A : vector<1x256xf32> to vector<1024x256xf32>
    %add3A_27 = arith.addf %mul3A_23, %add3A_26 : vector<1024x256xf32>
    %max3A = arith.constant 0.000000e+00 : f32
    %max3A_28 = vector.broadcast %max3A : f32 to vector<1024x256xf32>
    %max3A_29 = arith.maximumf %add3A_27, %max3A_28 : vector<1024x256xf32>
    %get3A_30 = arith.constant 0 : index
    %get3A_31 = arith.constant 0 : index
    %get3A_32 = vector.load %arg5[%get3A_30, %get3A_31] : memref<256x1xf32, #tpu.memory_space<vmem>>, vector<256x1xf32>
    %dot_general3A = arith.constant dense<0.000000e+00> : vector<1024x1xf32>
    %dot_general3A_33 = tpu.matmul %max3A_29, %get3A_32, %dot_general3A {dimension_numbers = #tpu.dot_dimension_numbers<[1], [0], [0], [1], [0, 0, 1, 1], [], []>, transpose_lhs_hint = false} : vector<1024x256xf32>, vector<256x1xf32>, vector<1024x1xf32> -> vector<1024x1xf32>
    %mul3A_34 = arith.mulf %dot_general3A_33, %get3A_1 : vector<1024x1xf32>
    %swap3A = arith.constant 0 : index
    %swap3A_35 = arith.constant 0 : index
    %swap3A_36 = vector.load %arg6[%swap3A, %swap3A_35] : memref<1024x1xf32, #tpu.memory_space<vmem>>, vector<1024x1xf32>
    tpu.vector_store %arg6[%swap3A, %swap3A_35], %mul3A_34 {strides = array<i32>} : memref<1024x1xf32, #tpu.memory_space<vmem>>, vector<1024x1xf32>,
    %eq3A = arith.constant 0 : i32
    %eq3A_37 = arith.cmpi eq, %arg0, %eq3A : i32
    %convert_element_type3A = arith.extui %eq3A_37 : i1 to i32
    %cond3A = arith.constant 0 : i32
    %cond3A_38 = arith.cmpi ne, %convert_element_type3A, %cond3A : i32
    scf.if %cond3A_38 {
      %broadcast_in_dim3A_60 = arith.constant 0.000000e+00 : f32
      %broadcast_in_dim3A_61 = vector.broadcast %broadcast_in_dim3A_60 : f32 to vector<1x1xf32>
      %swap3A_62 = arith.constant 0 : index
      %swap3A_63 = arith.constant 0 : index
      %swap3A_64 = vector.load %arg7[%swap3A_62, %swap3A_63] : memref<1x1xf32, #tpu.memory_space<vmem>>, vector<1x1xf32>
      tpu.vector_store %arg7[%swap3A_62, %swap3A_63], %broadcast_in_dim3A_61 {strides = array<i32>} : memref<1x1xf32, #tpu.memory_space<vmem>>, vector<1x1xf32>,
    } else {
    }
    %mul3A_39 = arith.constant 1024 : i32
    %mul3A_40 = arith.muli %arg0, %mul3A_39 : i32
    %iota3A = tpu.iota {dimensions = array<i32: 0>} : vector<1024x1xi32>
    %add3A_41 = vector.broadcast %mul3A_40 : i32 to vector<1024x1xi32>
    %add3A_42 = arith.addi %add3A_41, %iota3A : vector<1024x1xi32>
    %get3A_43 = arith.constant 0 : index
    %get3A_44 = arith.constant 0 : index
    %get3A_45 = vector.load %arg7[%get3A_43, %get3A_44] : memref<1x1xf32, #tpu.memory_space<vmem>>, vector<1x1xf32>
    %lt3A = arith.constant 10000 : i32
    %lt3A_46 = vector.broadcast %lt3A : i32 to vector<1024x1xi32>
    %lt3A_47 = arith.cmpi slt, %add3A_42, %lt3A_46 : vector<1024x1xi32>
    %mul3A_48 = arith.mulf %dot_general3A_33, %get3A_1 : vector<1024x1xf32>
    %mul3A_49 = arith.mulf %mul3A_48, %get3A_1 : vector<1024x1xf32>
    %jit3A = arith.constant 0.000000e+00 : f32
    %broadcast_in_dim3A_50 = vector.broadcast %jit3A : f32 to vector<1024x1xf32>
    %select_n3A = arith.select %lt3A_47, %mul3A_49, %broadcast_in_dim3A_50 : vector<1024x1xi1>, vector<1024x1xf32>
    %reduce_sum3A = vector.shape_cast %select_n3A : vector<1024x1xf32> to vector<1x1024x1xf32>
    %reduce_sum3A_51 = arith.constant dense<0.000000e+00> : vector<1xf32>
    %reduce_sum3A_52 = vector.multi_reduction <add>, %reduce_sum3A, %reduce_sum3A_51 [1, 2] : vector<1x1024x1xf32> to vector<1xf32>
    %reduce_sum3A_53 = vector.shape_cast %reduce_sum3A_52 : vector<1xf32> to vector<1x1x1xf32>
    %reduce_sum3A_54 = vector.extract %reduce_sum3A_53[0, 0, 0] : f32 from vector<1x1x1xf32>
    %add3A_55 = vector.broadcast %reduce_sum3A_54 : f32 to vector<1x1xf32>
    %add3A_56 = arith.addf %get3A_45, %add3A_55 : vector<1x1xf32>
    %swap3A_57 = arith.constant 0 : index
    %swap3A_58 = arith.constant 0 : index
    %swap3A_59 = vector.load %arg7[%swap3A_57, %swap3A_58] : memref<1x1xf32, #tpu.memory_space<vmem>>, vector<1x1xf32>
    tpu.vector_store %arg7[%swap3A_57, %swap3A_58], %add3A_56 {strides = array<i32>} : memref<1x1xf32, #tpu.memory_space<vmem>>, vector<1x1xf32>,
    return
  }
  func.func @transform_0(%arg0: i32) -> (i32, i32, i32) {
    %c0_i32 = arith.constant 0 : i32
    %c0_i32_0 = arith.constant 0 : i32
    %c0_i32_1 = arith.constant 0 : i32
    return %c0_i32, %arg0, %c0_i32_0 : i32, i32, i32
  }
  func.func @transform_1(%arg0: i32) -> (i32, i32, i32) {
    %c0_i32 = arith.constant 0 : i32
    %c0_i32_0 = arith.constant 0 : i32
    %c0_i32_1 = arith.constant 0 : i32
    return %c0_i32, %arg0, %c0_i32_0 : i32, i32, i32
  }
  func.func @transform_2(%arg0: i32) -> (i32, i32) {
    %c0_i32 = arith.constant 0 : i32
    %c0_i32_0 = arith.constant 0 : i32
    return %arg0, %c0_i32 : i32, i32
  }
  func.func @transform_3(%arg0: i32) -> i32 {
    %c0_i32 = arith.constant 0 : i32
    %c0_i32_0 = arith.constant 0 : i32
    return %c0_i32 : i32
  }
  func.func @transform_4(%arg0: i32) -> (i32, i32) {
    %c0_i32 = arith.constant 0 : i32
    %c0_i32_0 = arith.constant 0 : i32
    %c0_i32_1 = arith.constant 0 : i32
    return %c0_i32, %c0_i32_0 : i32, i32
  }
  func.func @transform_5(%arg0: i32) -> (i32, i32) {
    %c0_i32 = arith.constant 0 : i32
    %c0_i32_0 = arith.constant 0 : i32
    return %arg0, %c0_i32 : i32, i32
  }
  func.func @transform_6(%arg0: i32) -> (i32, i32) {
    %c0_i32 = arith.constant 0 : i32
    %c0_i32_0 = arith.constant 0 : i32
    %c0_i32_1 = arith.constant 0 : i32
    return %c0_i32, %c0_i32_0 : i32, i32
  }
}

</mosaic_0001>

<sc_bundles>
// kernel: kernel.12.cloned.1.call-start
scs
__scs_entry_jumppad:
0x0: {  	(pc) =	sbr.rel $0x88, $3  }
0x1: {  	(tag) =	ssettag $0x0;
	lr =	simm.s32 $0x1  }
0x2: {  	[smem:$0x3F99] =	sst lr;
	_ =	strace $0xD0000000  }
0x3: {  	_ = 	snop  }
0x4: {  	_ = 	snop  }
0x5: {  	_ = 	snop  }
0x6: {  	_ = 	snop  }
0x7: {  	_ = 	snop  }
__scs_overlays_trampoline_lowered:
0x8: {  	[smem:$0x3FA8] =	sst s0  }
0x9: {  	[smem:$0x3FA9] =	sst s1  }
0xa: {  	[smem:$0x3FAA] =	sst s2  }
0xb: {  	[smem:$0x3FAB] =	sst s3  }
0xc: {  	[smem:$0x3FAC] =	sst s4  }
0xd: {  	[smem:$0x3FAD] =	sst s5  }
0xe: {  	[smem:$0x3FAE] =	sst s6  }
0xf: {  	[smem:$0x3FAF] =	sst s7  }
0x10: {  	[smem:$0x3FB0] =	sst s8  }
0x11: {  	[smem:$0x3FB1] =	sst s9;
	s0 =	simm.s32 @!p0 $0x0  }
0x12: {  	s1 =	sld [smem:$0x3F97];
	s0 =	simm.s32 @p0 $0x1  }
0x13: {  	[smem:$0x3FB2] =	sst s0;
	s0 =	simm.s32 @!p1 $0x0  }
0x14: {  	s2 =	sld [smem:$0x3F96];
	s0 =	simm.s32 @p1 $0x1  }
0x15: {  	[smem:$0x3FB3] =	sst s0;
	s0 =	simm.s32 @!p2 $0x0  }
0x16: {  	s3 =	sld [smem:$0x3FDB];
	s0 =	simm.s32 @p2 $0x1  }
0x17: {  	s4 =	simm.s32 $0x1BF5;
	[smem:$0x3FB5] =	sst s0  }
0x18: {  	s0 =	sld [smem:$0x3F98];
	_ =	swait.ge [sflag:s4], $0x0  }
0x19: {  	s7 =	sld [smem:$0x3F99]  }
0x1a: {  	s8 =	sadd.s32 $0xFFFFE003, lr  }
0x1b: {  	s9 =	sadd.s32 $0xFFFFFEF7, lr;
	s5 =	simm.s32 $0xFFFFFFFF;
	p2 =	slt.u32 s8, $0xFFFFF086  }
0x1c: {  	p1 =	slt.u32 s9, $0xF7A;
	s5 =	simm.s32 @!p2 $0x0  }
0x1d: {  	s5 =	simm.s32 @p1 $0x1;
	p0 =	seq.s32 s7, s2  }
0x1e: {  	s7 =	smul.u32 @!p0 $0xF7A, s2;
	p2 =	seq.s32 @!p0 s5, $0x0  }
0x1f: {  	s9 =	smul.u32 $0xF7A, s1;
	s8 =	simm.s32 @!p0 $0x1BF5;
	p2 =	por !p2, p0  }
0x20: {  	[sflag:s8] =	ssyncset.s32 @!p0 $0xFFFFF086;
	s6 =	sadd.s32 @!p0 s3, s7;
	s7 =	simm.s32 @!p0 $0x108  }
0x21: {  	s3 =	sadd.s32 s3, s9;
	s6 =	sadd.s32 @!p0 $0x88, s6;
	s7 =	simm.s32 @p2 $0x1082  }
0x22: {  	[simem:s7], [sflag:s8] =	dma.local @!p0 [hbm:s6], $0xF7A  }
0x23: {  	s9 =	sor.u32 $0xD0000000, s2;
	s6 =	simm.s32 $0x108;
	_ =	swait.ge @!p0 [sflag:s8], $0x0  }
0x24: {  	s3 =	sadd.s32 $0x88, s3;
	s6 =	simm.s32 @!p1 $0x1082;
	[sflag:s4] =	ssyncset.s32 $0xFFFFF086  }
0x25: {  	[simem:s6], [sflag:s4] =	dma.local [hbm:s3], $0xF7A  }
0x26: {  	[smem:$0x3F99] =	sst s1;
	(tag) =	ssettag s2;
	_ =	strace s9  }
0x27: {  	s1 =	sld [smem:$0x3FA9]  }
0x28: {  	s2 =	sld [smem:$0x3FAA]  }
0x29: {  	s4 =	sld [smem:$0x3FAC]  }
0x2a: {  	p0 =	seq.s32 s5, $0x0;
	s5 =	sld [smem:$0x3FAD]  }
0x2b: {  	s6 =	sld [smem:$0x3FAE]  }
0x2c: {  	s7 =	sld [smem:$0x3FAF]  }
0x2d: {  	s3 =	simm.s32 $0x108;
	s8 =	sld [smem:$0x3FB0]  }
0x2e: {  	s3 =	simm.s32 @!p0 $0x1082;
	s9 =	sld [smem:$0x3FB1]  }
0x2f: {  	lr =	sadd.s32 s0, s3;
	s0 =	sld [smem:$0x3FA8]  }
0x30: {  	s3 =	sld [smem:$0x3FAB]  }
0x31: {  	[smem:$0x3FB4] =	sst s10  }
0x32: {  	s10 =	sld [smem:$0x3FB2];
	_ =	sdelay $0x3  }
0x33: {  	p0 =	seq.s32 s10, $0x1;
	s10 =	sld [smem:$0x3FB4];
	_ =	sdelay $0x3  }
0x34: {  	[smem:$0x3FB4] =	sst s10  }
0x35: {  	s10 =	sld [smem:$0x3FB3];
	_ =	sdelay $0x3  }
0x36: {  	p1 =	seq.s32 s10, $0x1;
	s10 =	sld [smem:$0x3FB4];
	_ =	sdelay $0x3  }
0x37: {  	[smem:$0x3FB4] =	sst s10  }
0x38: {  	s10 =	sld [smem:$0x3FB5]  }
0x39: {  	_ = 	snop;
	(pc) =	sbr.ind lr, $3  }
0x3a: {  	_ = 	snop  }
0x3b: {  	_ = 	snop  }
0x3c: {  	p2 =	seq.s32 s10, $0x1;
	s10 =	sld [smem:$0x3FB4]  }
0x3d: {  	_ =	shalt  }
0x3e: {  	_ =	shalt  }
0x3f: {  	_ =	shalt  }
0x40: {  	_ =	shalt  }
0x41: {  	_ =	shalt  }
0x42: {  	_ =	shalt  }
0x43: {  	_ =	shalt  }
0x44: {  	_ =	shalt  }
0x45: {  	_ =	shalt  }
0x46: {  	_ =	shalt  }
0x47: {  	_ =	shalt  }
0x48: {  	_ =	shalt  }
0x49: {  	_ =	shalt  }
0x4a: {  	_ =	shalt  }
0x4b: {  	_ =	shalt  }
0x4c: {  	_ =	shalt  }
0x4d: {  	_ =	shalt  }
0x4e: {  	_ =	shalt  }
0x4f: {  	_ =	shalt  }
0x50: {  	_ =	shalt  }
0x51: {  	_ =	shalt  }
0x52: {  	_ =	shalt  }
0x53: {  	_ =	shalt  }
0x54: {  	_ =	shalt  }
0x55: {  	_ =	shalt  }
0x56: {  	_ =	shalt  }
0x57: {  	_ =	shalt  }
0x58: {  	_ =	shalt  }
0x59: {  	_ =	shalt  }
0x5a: {  	_ =	shalt  }
0x5b: {  	_ =	shalt  }
0x5c: {  	_ =	shalt  }
0x5d: {  	_ =	shalt  }
0x5e: {  	_ =	shalt  }
0x5f: {  	_ =	shalt  }
0x60: {  	_ =	shalt  }
0x61: {  	_ =	shalt  }
0x62: {  	_ =	shalt  }
0x63: {  	_ =	shalt  }
0x64: {  	_ =	shalt  }
0x65: {  	_ =	shalt  }
0x66: {  	_ =	shalt  }
0x67: {  	_ =	shalt  }
0x68: {  	_ =	shalt  }
0x69: {  	_ =	shalt  }
0x6a: {  	_ =	shalt  }
0x6b: {  	_ =	shalt  }
0x6c: {  	_ =	shalt  }
0x6d: {  	_ =	shalt  }
0x6e: {  	_ =	shalt  }
0x6f: {  	_ =	shalt  }
0x70: {  	_ =	shalt  }
0x71: {  	_ =	shalt  }
0x72: {  	_ =	shalt  }
0x73: {  	_ =	shalt  }
0x74: {  	_ =	shalt  }
0x75: {  	_ =	shalt  }
0x76: {  	_ =	shalt  }
0x77: {  	_ =	shalt  }
0x78: {  	_ =	shalt  }
0x79: {  	_ =	shalt  }
0x7a: {  	_ =	shalt  }
0x7b: {  	_ =	shalt  }
0x7c: {  	_ =	shalt  }
0x7d: {  	_ =	shalt  }
0x7e: {  	_ =	shalt  }
0x7f: {  	_ =	shalt  }
0x80: {  	_ =	shalt  }
0x81: {  	_ =	shalt  }
0x82: {  	_ =	shalt  }
0x83: {  	_ =	shalt  }
0x84: {  	_ =	shalt  }
0x85: {  	_ =	shalt  }
0x86: {  	_ =	shalt  }
0x87: {  	_ =	shalt  }
.Lfunc_end0:
.L_simem_size_0:
called_computation.1_lowered:
.L_overlay_start_0:
0x88: {  	s2 =	sld [smem:$0x3FD9]  }
0x89: {  	s3 =	sld [smem:$0x3FFE];
	_ =	sdelay $0x1  }
0x8a: {  	s1 =	srdreg.scid  }
0x8b: {  	s0 =	sand.u32 $0x1, s1  }
0x8c: {  	s16 =	sshll.u32 s0, $0xA;
	s2 =	sadd.s32 s3, s2  }
0x8d: {  	s2 =	sadd.s32 s2, s16  }
0x8e: {  	[smem:$0x3FC0] =	sst s2  }
0x8f: {  	_ = 	snop  }
0x90: {  	(tm) =	ssettm $0x1  }
0x91: {  	s17 =	sld [smem:$0x3FFB];
	_ =	sdelay $0x3  }
0x92: {  	_ =	strace s17  }
0x93: {  	s2 =	sld [smem:$0x3FFC];
	_ =	sdelay $0x3  }
0x94: {  	_ =	strace s2  }
0x95: {  	s2 =	sld [smem:$0x3FFD];
	_ =	sdelay $0x3  }
0x96: {  	_ =	strace s2  }
0x97: {  	_ =	strace $0x8FFFFFFF  }
0x98: {  	s18 =	sld [smem:$0x3FDB];
	_ =	sdelay $0x1  }
0x99: {  	s19 =	simm.s32 $_scs_section_size  }
0x9a: {  	s4 =	simm.s32 $_size__tile_overlayer_lowered;
	s5 =	simm.s32 $_tile_overlayer_lowered  }
0x9b: {  	s22 =	simm.s32 $0x1BFF;
	s21 =	sshll.u32 s5, $0x1;
	s2 =	sadd.s32 s19, s18  }
0x9c: {  	s6 =	simm.s32 $0x0;
	s20 =	sshll.u32 s4, $0x1;
	s4 =	sadd.s32 s21, s2  }
0x9d: {  	[timem:s6], [sflag:s22] =	dma.local [hbm:s4], s20  }
0x9e: {  	_ =	swait.ge [sflag:s22], s20  }
0x9f: {  	s3 =	ssub.s32 $0x0, s20;
	[sflag:s22] =	ssyncset.done $0x0  }
0xa0: {  	[sflag:s22] =	ssyncadd.s32 s3;
	_ =	sdelay $0x1  }
0xa1: {  	s23 =	simm.s32 $0x1B8B  }
0xa2: {  	_ =	swait.ge [sflag:s23], $0x1  }
0xa3: {  	[sflag:s23] =	ssyncset.done $0x0  }
0xa4: {  	s25 =	simm.s32 $0x1B8E;
	s24 =	sld [smem:$0x3FFE];
	[sflag:s23] =	ssyncadd.s32 $0xFFFFFFFF  }
0xa5: {  	s26 =	simm.s32 $execute0_lowered;
	[smem:$0x3FD2] =	sst s25  }
0xa6: {  	s4 =	sshll.u32 s26, $0x1;
	_ =	strace $0x80000049;
	[dreg:$0x1] =	wrdreg $0xFFFFFFFF  }
0xa7: {  	s28 =	simm.s32 $_size_execute0_lowered;
	s2 =	sadd.s32 s2, s4;
	[dreg:$0x0] =	wrdreg $0x0  }
0xa8: {  	s4 =	sshll.u32 s28, $0x1;
	[dreg:$0x2] =	wrdreg s2  }
0xa9: {  	[dreg:$0x3] =	wrdreg s4  }
0xaa: {  	[dreg:$0x4] =	wrdreg $0xC0  }
0xab: {  	_ =	task [dreg:s6], $0x5FFFF  }
0xac: {  	[dreg:$0x1] =	wrdreg $0xFFFFFFFF  }
0xad: {  	[dreg:$0x0] =	wrdreg $0x60  }
0xae: {  	[dreg:$0x2] =	wrdreg s24  }
0xaf: {  	[dreg:$0x3] =	wrdreg $0xA8000  }
0xb0: {  	[dreg:$0x4] =	wrdreg $0x9  }
0xb1: {  	_ =	task.clear_ibuf [dreg:s6], $0x5FFFF;
	_ =	strace $0x90000049  }
0xb2: {  	s29 =	simm.s32 $0x9;
	_ =	strace $0x8000004B  }
0xb3: {  	_ =	swait.ge [sflag:s29], $0x1  }
0xb4: {  	[sflag:s29] =	ssyncadd.s32 $0xFFFFFFFF  }
0xb5: {  	_ =	strace $0x9000004B  }
0xb6: {  	_ =	sfence  }
0xb7: {  	s30 =	sld [smem:$0x0];
	_ =	sdelay $0x2  }
0xb8: {  	s31 =	sshll.u32 s1, $0xD;
	s1 =	sshrl.u32 s1, $0x2  }
0xb9: {  	s3 =	sand.u32 $0x4000, s31;
	s1 =	sadd.s32 s1, s30  }
0xba: {  	s0 =	sor.u32 s3, s0;
	s1 =	sshll.u32 s1, $0x11  }
0xbb: {  	s0 =	sor.u32 s1, s0  }
0xbc: {  	s0 =	sadd.s32 $0x8F2B, s0  }
0xbd: {  	[sflag:s0] =	ssyncadd.remote.s32 $0x1  }
0xbe: {  	_ =	sfence.sel $0xFFFF  }
0xbf: {  	[dreg:$0x0] =	wrdreg $0xFFFFFFFF;
	(pc) =	sbr.abs _section_cstart, $3  }
0xc0: {  	[dreg:$0x1] =	wrdreg $0xFFFFFFFF  }
0xc1: {  	_ =	task.clear_ibuf [dreg:s6], $0x2FFFF;
	_ =	strace $0x9FFFFFFF  }
0xc2: {  	(tm) =	ssettm $0x7FFFFFFF  }
0xc3: {  	_ =	shalt  }
tec
execute0_lowered:
.L_overlay_start_1:
0x0: {  	(tag) =	ssettag $0x1  }
0x1: {  	s6 =	rddreg [dreg:$0x0]  }
0x2: {  	s1 =	rddreg [dreg:$0x1]  }
0x3: {  	s0 =	rddreg [dreg:$0x2];
	s2 =	simm.s32 $0x0  }
0x4: {  	s7 =	srdreg.scid;
	s3 =	stileid.u32;
	s19 =	simm.s32 $0x80  }
0x5: {  	s20 =	simm.s32 $0x2800;
	s21 =	simm.s32 $0x6800;
	s22 =	simm.s32 $0x2  }
0x6: {  	s23 =	simm.s32 $0x2700;
	[smem:$0x7FF] =	sst s2;
	s10 =	sadd.s32 $0x15200, s6  }
0x7: {  	s11 =	sadd.s32 $0xE00, s6;
	s4 =	sadd.s32 $0x1F200, s6;
	s13 =	smul.u32 $0x2780, s3  }
0x8: {  	s5 =	sadd.s32 $0x5E00, s6;
	s12 =	sand.u32 $0x1, s7;
	s14 =	smul.u32 $0x4F000, s3  }
0x9: {  	s8 =	sshll.u32 s3, $0x1;
	s15 =	sadd.s32 $0x6D400, s6;
	s26 =	smul.u32 $0x500, s3  }
0xa: {  	s28 =	sshll.u32 s3, $0x6;
	s29 =	smul.u32 $0x2800, s3;
	p0 =	seq.s32 s3, $0xF  }
0xb: {  	_ =	strace $0x8000004A;
	s7 =	sshll.u32 s12, $0x5;
	s18 =	smul.u32 $0x138800, s12  }
0xc: {  	s9 =	ssub.s32 $0x2, s12;
	s12 =	smul.u32 $0x27100, s12;
	s7 =	sor.u32 s8, s7  }
0xd: {  	s24 =	sshrl.u32 s9, $0x1;
	s25 =	sshrl.u32 s14, $0x2;
	s14 =	sshrl.u32 s29, $0x3  }
0xe: {  	s8 =	smul.u32 $0x280, s7;
	s16 =	ssub.s32 s9, s24;
	s6 =	sadd.s32 s25, s1  }
0xf: {  	s17 =	smul.u32 $0x1400, s7;
	s7 =	sor.u32 $0x1C01, s28;
	s9 =	sadd.s32 s11, s26  }
0x10: {  	s11 =	sadd.s32 s11, s14;
	s30 =	sshrl.u32 s18, $0x3;
	s12 =	sadd.s32 s13, s12  }
0x11: {  	s18 =	simm.s32 $0x1;
	s24 =	simm.s32 $0x2780;
	s25 =	simm.s32 $0x0  }
0x12: {  	s11 =	sadd.s32 $0x280, s11;
	s31 =	sadd.s32 s15, s30;
	s12 =	sadd.s32 s15, s12  }
0x13: {  	s14 =	smax.u32 s16, $0x1;
	s15 =	sshrl.u32 s6, $0x3;
	s17 =	sshrl.u32 s17, $0x3  }
0x14: {  	s16 =	simm.s32 $0x3;
	s8 =	sadd.s32 s10, s8;
	s10 =	sadd.s32 s10, s17  }
0x15: {  	s13 =	sadd.s32 $0x25080, s31;
	s17 =	simm.s32 $0x1400;
	s10 =	sadd.s32 $0x280, s10  }
.LBB2_1:
0x16: {  	[spmem:s15], [sflag:s7] =	dma.local [hbm:s5], $0x2780  }
0x17: {  	[tilespmem:s2], [sflag:$0x3] =	stream.linear.gather [hbm4b:s8+s2], $0x1400, $0x38;
	[tilespmem:$0x1E400] =	vst v63  }
0x18: {  	_ =	swait.ge [sflag:s16], $0x1400  }
0x19: {  	[sflag:s16] =	ssyncset.done $0x0  }
0x1a: {  	[sflag:s16] =	ssyncadd.s32 $0xFFFFEC00  }
0x1b: {  	[tilespmem:s17], [sflag:$0x3] =	stream.linear.gather [hbm4b:s9+s2], $0x1400, $0x38;
	[tilespmem:$0x1E400] =	vst v63  }
0x1c: {  	_ =	swait.ge [sflag:s16], $0x1400  }
0x1d: {  	[sflag:s16] =	ssyncset.done $0x0  }
0x1e: {  	[sflag:s16] =	ssyncadd.s32 $0xFFFFEC00  }
0x1f: {  	_ =	swait.ge [sflag:s18], $0x2780  }
0x20: {  	[sflag:s18] =	ssyncset.done $0x0  }
0x21: {  	[sflag:s18] =	ssyncadd.s32 $0xFFFFD880  }
0x22: {  	[bflag:$0x0] =	sbarrier.arrive $0xFFFF  }
0x23: {  	[tilespmem:s20], [sflag:$0x1] =	stream.indirect.gather [hbm4b:s4+s19], $0x80, s2, s19, $0xb8;
	[tilespmem:$0x1E400] =	vst v63  }
0x24: {  	_ = 	snop  }
0x25: {  	[tilespmem:s21], [sflag:$0x2] =	stream.indirect.gather [hbm4b:s4+s19], $0x80, s19, s19, $0xb8;
	[tilespmem:$0x1E400] =	vst v63  }
0x26: {  	_ =	swait.ge [sflag:s18], $0x4000  }
0x27: {  	[sflag:s18] =	ssyncset.done $0x0  }
0x28: {  	s26 =	simm.s32 $0x1400;
	[sflag:s18] =	ssyncadd.s32 $0xFFFFC000  }
0x29: {  	[spmem:s1] =	stream.indirect.scatter.add.f32 [tilespmem:s20], [sflag:$0x3], $0x80, s26, s19, $0xb8;
	[tilespmem:$0x1E400] =	vst v63  }
0x2a: {  	_ =	swait.ge [sflag:s16], $0x4000  }
0x2b: {  	[sflag:s16] =	ssyncset.done $0x0  }
0x2c: {  	s30 =	simm.s32 $0x100;
	[sflag:s16] =	ssyncadd.s32 $0xFFFFC000  }
0x2d: {  	[tilespmem:s20], [sflag:$0x1] =	stream.indirect.gather [hbm4b:s4+s19], $0x80, s30, s19, $0xb8;
	[tilespmem:$0x1E400] =	vst v63  }
0x2e: {  	_ =	swait.ge [sflag:s22], $0x4000  }
0x2f: {  	[sflag:s22] =	ssyncset.done $0x0  }
0x30: {  	s31 =	simm.s32 $0x1480;
	[sflag:s22] =	ssyncadd.s32 $0xFFFFC000  }
0x31: {  	[spmem:s1] =	stream.indirect.scatter.add.f32 [tilespmem:s21], [sflag:$0x3], $0x80, s31, s19, $0xb8;
	[tilespmem:$0x1E400] =	vst v63  }
0x32: {  	_ =	swait.ge [sflag:s16], $0x4000  }
0x33: {  	[sflag:s16] =	ssyncset.done $0x0  }
0x34: {  	s28 =	simm.s32 $0x180;
	s26 =	simm.s32 $0x400;
	[sflag:s16] =	ssyncadd.s32 $0xFFFFC000  }
.LBB2_2:
0x35: {  	[tilespmem:s21], [sflag:$0x2] =	stream.indirect.gather [hbm4b:s4+s19], $0x80, s28, s19, $0xb8;
	[tilespmem:$0x1E400] =	vst v63  }
0x36: {  	s28 =	smov.u32 s26  }
0x37: {  	p1 =	sne.s32 s26, $0x4800;
	s26 =	sadd.s32 $0x400, s26;
	_ =	swait.ge [sflag:s18], $0x4000  }
0x38: {  	s28 =	sshra.s32 s28, $0x2;
	[sflag:s18] =	ssyncset.done $0x0  }
0x39: {  	s29 =	sadd.s32 $0x1400, s28;
	[sflag:s18] =	ssyncadd.s32 $0xFFFFC000  }
0x3a: {  	[spmem:s1] =	stream.indirect.scatter.add.f32 [tilespmem:s20], [sflag:$0x3], $0x80, s29, s19, $0xb8;
	[tilespmem:$0x1E400] =	vst v63  }
0x3b: {  	_ =	swait.ge [sflag:s16], $0x4000  }
0x3c: {  	[sflag:s16] =	ssyncset.done $0x0  }
0x3d: {  	s29 =	sadd.s32 $0x100, s28;
	[sflag:s16] =	ssyncadd.s32 $0xFFFFC000  }
0x3e: {  	[tilespmem:s20], [sflag:$0x1] =	stream.indirect.gather [hbm4b:s4+s19], $0x80, s29, s19, $0xb8;
	[tilespmem:$0x1E400] =	vst v63  }
0x3f: {  	_ =	swait.ge [sflag:s22], $0x4000  }
0x40: {  	[sflag:s22] =	ssyncset.done $0x0  }
.Ltmp0:
0x41: {  	s29 =	sadd.s32 $0x1480, s28;
	[sflag:s22] =	ssyncadd.s32 $0xFFFFC000;
	(pc) =	sbr.rel @p1 .LBB2_2-.Ltmp0, $4  }
0x42: {  	[spmem:s1] =	stream.indirect.scatter.add.f32 [tilespmem:s21], [sflag:$0x3], $0x80, s29, s19, $0xb8;
	[tilespmem:$0x1E400] =	vst v63  }
0x43: {  	_ =	swait.ge [sflag:s16], $0x4000  }
0x44: {  	[sflag:s16] =	ssyncset.done $0x0  }
0x45: {  	s28 =	sadd.s32 $0x180, s28;
	[sflag:s16] =	ssyncadd.s32 $0xFFFFC000  }
0x46: {  	[tilespmem:s21], [sflag:$0x2] =	stream.indirect.gather [hbm4b:s4+s19], $0x80, s28, s19, $0xb8;
	[tilespmem:$0x1E400] =	vst v63  }
0x47: {  	_ =	swait.ge [sflag:s18], $0x4000  }
0x48: {  	[sflag:s18] =	ssyncset.done $0x0  }
0x49: {  	[sflag:s18] =	ssyncadd.s32 $0xFFFFC000  }
0x4a: {  	[spmem:s1] =	stream.indirect.scatter.add.f32 [tilespmem:s20], [sflag:$0x3], $0x80, s23, s19, $0xb8;
	[tilespmem:$0x1E400] =	vst v63  }
0x4b: {  	_ =	swait.ge [sflag:s16], $0x4000  }
0x4c: {  	[sflag:s16] =	ssyncset.done $0x0  }
0x4d: {  	[sflag:s16] =	ssyncadd.s32 $0xFFFFC000  }
0x4e: {  	_ =	swait.ge [sflag:s22], $0x4000  }
0x4f: {  	[sflag:s22] =	ssyncset.done $0x0  }
0x50: {  	[sflag:s22] =	ssyncadd.s32 $0xFFFFC000  }
0x51: {  	[spmem:s1] =	stream.indirect.scatter.add.f32 [tilespmem:s21], [sflag:$0x3], $0x80, s24, s19, $0xb8;
	[tilespmem:$0x1E400] =	vst v63  }
0x52: {  	_ =	swait.ge [sflag:s16], $0x4000  }
0x53: {  	[sflag:s16] =	ssyncset.done $0x0  }
0x54: {  	s26 =	simm.s32 $0x0;
	[sflag:s16] =	ssyncadd.s32 $0xFFFFC000  }
0x55: {  	[tilespmem:s26], [sflag:$0x3] =	stream.linear.gather [hbm4b:s10+s26], $0x1400, $0x38;
	[tilespmem:$0x1E400] =	vst v63  }
0x56: {  	_ =	swait.ge [sflag:s16], $0x1400  }
0x57: {  	[sflag:s16] =	ssyncset.done $0x0  }
0x58: {  	[sflag:s16] =	ssyncadd.s32 $0xFFFFEC00  }
0x59: {  	[tilespmem:s17], [sflag:$0x3] =	stream.linear.gather [hbm4b:s11+s26], $0x1400, $0x38;
	[tilespmem:$0x1E400] =	vst v63  }
0x5a: {  	_ =	swait.ge [sflag:s16], $0x1400  }
0x5b: {  	[sflag:s16] =	ssyncset.done $0x0  }
0x5c: {  	[sflag:s16] =	ssyncadd.s32 $0xFFFFEC00  }
0x5d: {  	[tilespmem:s20], [sflag:$0x1] =	stream.indirect.gather [hbm4b:s4+s19], $0x80, s26, s19, $0xb8;
	[tilespmem:$0x1E400] =	vst v63  }
0x5e: {  	_ = 	snop  }
0x5f: {  	[tilespmem:s21], [sflag:$0x2] =	stream.indirect.gather [hbm4b:s4+s19], $0x80, s19, s19, $0xb8;
	[tilespmem:$0x1E400] =	vst v63  }
0x60: {  	_ =	swait.ge [sflag:s18], $0x4000  }
0x61: {  	[sflag:s18] =	ssyncset.done $0x0  }
0x62: {  	s29 =	simm.s32 $0x1400;
	[sflag:s18] =	ssyncadd.s32 $0xFFFFC000  }
0x63: {  	[spmem:s1] =	stream.indirect.scatter.add.f32 [tilespmem:s20], [sflag:$0x3], $0x80, s29, s19, $0xb8;
	[tilespmem:$0x1E400] =	vst v63  }
0x64: {  	_ =	swait.ge [sflag:s16], $0x4000  }
0x65: {  	[sflag:s16] =	ssyncset.done $0x0  }
0x66: {  	s30 =	simm.s32 $0x100;
	[sflag:s16] =	ssyncadd.s32 $0xFFFFC000  }
0x67: {  	[tilespmem:s20], [sflag:$0x1] =	stream.indirect.gather [hbm4b:s4+s19], $0x80, s30, s19, $0xb8;
	[tilespmem:$0x1E400] =	vst v63  }
0x68: {  	_ =	swait.ge [sflag:s22], $0x4000  }
0x69: {  	[sflag:s22] =	ssyncset.done $0x0  }
0x6a: {  	s31 =	simm.s32 $0x1480;
	[sflag:s22] =	ssyncadd.s32 $0xFFFFC000  }
0x6b: {  	[spmem:s1] =	stream.indirect.scatter.add.f32 [tilespmem:s21], [sflag:$0x3], $0x80, s31, s19, $0xb8;
	[tilespmem:$0x1E400] =	vst v63  }
0x6c: {  	_ =	swait.ge [sflag:s16], $0x4000  }
0x6d: {  	[sflag:s16] =	ssyncset.done $0x0  }
0x6e: {  	s28 =	simm.s32 $0x180;
	s26 =	simm.s32 $0x400;
	[sflag:s16] =	ssyncadd.s32 $0xFFFFC000  }
.LBB2_4:
0x6f: {  	[tilespmem:s21], [sflag:$0x2] =	stream.indirect.gather [hbm4b:s4+s19], $0x80, s28, s19, $0xb8;
	[tilespmem:$0x1E400] =	vst v63  }
0x70: {  	s28 =	smov.u32 s26  }
0x71: {  	p1 =	sne.s32 s26, $0x4800;
	s26 =	sadd.s32 $0x400, s26;
	_ =	swait.ge [sflag:s18], $0x4000  }
0x72: {  	s28 =	sshra.s32 s28, $0x2;
	[sflag:s18] =	ssyncset.done $0x0  }
0x73: {  	s29 =	sadd.s32 $0x1400, s28;
	[sflag:s18] =	ssyncadd.s32 $0xFFFFC000  }
0x74: {  	[spmem:s1] =	stream.indirect.scatter.add.f32 [tilespmem:s20], [sflag:$0x3], $0x80, s29, s19, $0xb8;
	[tilespmem:$0x1E400] =	vst v63  }
0x75: {  	_ =	swait.ge [sflag:s16], $0x4000  }
0x76: {  	[sflag:s16] =	ssyncset.done $0x0  }
0x77: {  	s29 =	sadd.s32 $0x100, s28;
	[sflag:s16] =	ssyncadd.s32 $0xFFFFC000  }
0x78: {  	[tilespmem:s20], [sflag:$0x1] =	stream.indirect.gather [hbm4b:s4+s19], $0x80, s29, s19, $0xb8;
	[tilespmem:$0x1E400] =	vst v63  }
0x79: {  	_ =	swait.ge [sflag:s22], $0x4000  }
0x7a: {  	[sflag:s22] =	ssyncset.done $0x0  }
.Ltmp1:
0x7b: {  	s29 =	sadd.s32 $0x1480, s28;
	[sflag:s22] =	ssyncadd.s32 $0xFFFFC000;
	(pc) =	sbr.rel @p1 .LBB2_4-.Ltmp1, $4  }
0x7c: {  	[spmem:s1] =	stream.indirect.scatter.add.f32 [tilespmem:s21], [sflag:$0x3], $0x80, s29, s19, $0xb8;
	[tilespmem:$0x1E400] =	vst v63  }
0x7d: {  	_ =	swait.ge [sflag:s16], $0x4000  }
0x7e: {  	[sflag:s16] =	ssyncset.done $0x0  }
0x7f: {  	s28 =	sadd.s32 $0x180, s28;
	[sflag:s16] =	ssyncadd.s32 $0xFFFFC000  }
0x80: {  	[tilespmem:s21], [sflag:$0x2] =	stream.indirect.gather [hbm4b:s4+s19], $0x80, s28, s19, $0xb8;
	[tilespmem:$0x1E400] =	vst v63  }
0x81: {  	_ =	swait.ge [sflag:s18], $0x4000  }
0x82: {  	[sflag:s18] =	ssyncset.done $0x0  }
0x83: {  	[sflag:s18] =	ssyncadd.s32 $0xFFFFC000  }
0x84: {  	[spmem:s1] =	stream.indirect.scatter.add.f32 [tilespmem:s20], [sflag:$0x3], $0x80, s23, s19, $0xb8;
	[tilespmem:$0x1E400] =	vst v63  }
0x85: {  	_ =	swait.ge [sflag:s16], $0x4000  }
0x86: {  	[sflag:s16] =	ssyncset.done $0x0  }
0x87: {  	[sflag:s16] =	ssyncadd.s32 $0xFFFFC000  }
0x88: {  	_ =	swait.ge [sflag:s22], $0x4000  }
0x89: {  	[sflag:s22] =	ssyncset.done $0x0  }
0x8a: {  	[sflag:s22] =	ssyncadd.s32 $0xFFFFC000  }
0x8b: {  	[spmem:s1] =	stream.indirect.scatter.add.f32 [tilespmem:s21], [sflag:$0x3], $0x80, s24, s19, $0xb8;
	[tilespmem:$0x1E400] =	vst v63  }
0x8c: {  	_ =	swait.ge [sflag:s16], $0x4000  }
0x8d: {  	[sflag:s16] =	ssyncset.done $0x0  }
0x8e: {  	[sflag:s16] =	ssyncadd.s32 $0xFFFFC000  }
0x8f: {  	s26 =	sshrl.u32 @p0 s6, $0x3;
	s28 =	simm.s32 @p0 $0x1FC3;
	[bflag:$0x0] =	sbarrier.arrive $0xFFFF  }
0x90: {  	[hbm:s13], [sflag:s28] =	dma.local @p0 [spmem:s26], $0x2080  }
0x91: {  	s26 =	simm.s32 @p0 $0x3  }
0x92: {  	s25 =	sadd.s32 $0x1, s25;
	_ =	swait.ge @p0 [sflag:s26], $0x2080  }
0x93: {  	p1 =	sne.s32 s25, s14;
	s28 =	sshll.u32 @!p0 s3, $0x6;
	[sflag:s26] =	ssyncset.done @p0 $0x0  }
0x94: {  	[sflag:s26] =	ssyncadd.s32 @p0 $0xFFFFDF80;
	s26 =	sor.u32 @!p0 $0x1C03, s28;
	s28 =	sshrl.u32 @!p0 s6, $0x3  }
0x95: {  	[hbm:s12], [sflag:s26] =	dma.local @!p0 [spmem:s28], $0x2780  }
.Ltmp2:
0x96: {  	_ = 	snop;
	(pc) =	sbr.rel @p1 .LBB2_1-.Ltmp2, $4  }
0x97: {  	s26 =	simm.s32 @!p0 $0x3  }
0x98: {  	_ =	swait.ge @!p0 [sflag:s26], $0x2780  }
0x99: {  	[sflag:s26] =	ssyncset.done @!p0 $0x0  }
0x9a: {  	[sflag:s26] =	ssyncadd.s32 @!p0 $0xFFFFD880  }
0x9b: {  	_ =	sfence.sel $0x180000  }
0x9c: {  	[bflag:$0x0] =	sbarrier.arrive $0xFFFF  }
0x9d: {  	p0 =	sne.s32 s3, $0x0;
	_ =	strace $0x9000004A  }
0x9e: {  	s0 =	sadd.s32 @!p0 $0x100000, s0;
	[bflag:$0x2] =	sbarrier.arrive $0xFFFF  }
0x9f: {  	[sflag:s0] =	ssyncadd.tile.s32 @!p0 $0x1;
	_ =	shalt  }
.Lfunc_end2:
_tile_overlayer_lowered:
.L_overlay_start_2:
0xa0: {  	(tag) =	ssettag $0x2  }
0xa1: {  	s0 =	rddreg [dreg:$0x0];
	s2 =	stileid.u32  }
0xa2: {  	s1 =	rddreg [dreg:$0x1];
	p0 =	sne.s32 s2, $0x0  }
0xa3: {  	s3 =	rddreg [dreg:$0x2];
	[bflag:$0x3] =	sbarrier.arrive $0xFFFF;
	s2 =	simm.s32 @!p0 $0x1C03  }
0xa4: {  	[timem:s3], [sflag:s2] =	dma.local @!p0 [hbm:s0], s1  }
0xa5: {  	s0 =	simm.s32 @!p0 $0x3  }
0xa6: {  	_ =	swait.ge @!p0 [sflag:s0], s1  }
0xa7: {  	s1 =	ssub.s32 @!p0 $0x0, s1;
	[sflag:s0] =	ssyncset.done @!p0 $0x0  }
0xa8: {  	[sflag:s0] =	ssyncadd.s32 @!p0 s1  }
0xa9: {  	[bflag:$0x3] =	sbarrier.arrive $0xFFFF  }
0xaa: {  	_ =	shalt  }

// kernel: kernel.15.cloned.1.call-start
scs
__scs_entry_jumppad:
0x0: {  	(pc) =	sbr.rel $0x88, $3  }
0x1: {  	(tag) =	ssettag $0x0;
	lr =	simm.s32 $0x1  }
0x2: {  	[smem:$0x3F99] =	sst lr;
	_ =	strace $0xD0000000  }
0x3: {  	_ = 	snop  }
0x4: {  	_ = 	snop  }
0x5: {  	_ = 	snop  }
0x6: {  	_ = 	snop  }
0x7: {  	_ = 	snop  }
__scs_overlays_trampoline_lowered:
0x8: {  	[smem:$0x3FA8] =	sst s0  }
0x9: {  	[smem:$0x3FA9] =	sst s1  }
0xa: {  	[smem:$0x3FAA] =	sst s2  }
0xb: {  	[smem:$0x3FAB] =	sst s3  }
0xc: {  	[smem:$0x3FAC] =	sst s4  }
0xd: {  	[smem:$0x3FAD] =	sst s5  }
0xe: {  	[smem:$0x3FAE] =	sst s6  }
0xf: {  	[smem:$0x3FAF] =	sst s7  }
0x10: {  	[smem:$0x3FB0] =	sst s8  }
0x11: {  	[smem:$0x3FB1] =	sst s9;
	s0 =	simm.s32 @!p0 $0x0  }
0x12: {  	s1 =	sld [smem:$0x3F97];
	s0 =	simm.s32 @p0 $0x1  }
0x13: {  	[smem:$0x3FB2] =	sst s0;
	s0 =	simm.s32 @!p1 $0x0  }
0x14: {  	s2 =	sld [smem:$0x3F96];
	s0 =	simm.s32 @p1 $0x1  }
0x15: {  	[smem:$0x3FB3] =	sst s0;
	s0 =	simm.s32 @!p2 $0x0  }
0x16: {  	s3 =	sld [smem:$0x3FDB];
	s0 =	simm.s32 @p2 $0x1  }
0x17: {  	s4 =	simm.s32 $0x1BF5;
	[smem:$0x3FB5] =	sst s0  }
0x18: {  	s0 =	sld [smem:$0x3F98];
	_ =	swait.ge [sflag:s4], $0x0  }
0x19: {  	s7 =	sld [smem:$0x3F99]  }
0x1a: {  	s8 =	sadd.s32 $0xFFFFE003, lr  }
0x1b: {  	s9 =	sadd.s32 $0xFFFFFEF7, lr;
	s5 =	simm.s32 $0xFFFFFFFF;
	p2 =	slt.u32 s8, $0xFFFFF086  }
0x1c: {  	p1 =	slt.u32 s9, $0xF7A;
	s5 =	simm.s32 @!p2 $0x0  }
0x1d: {  	s5 =	simm.s32 @p1 $0x1;
	p0 =	seq.s32 s7, s2  }
0x1e: {  	s7 =	smul.u32 @!p0 $0xF7A, s2;
	p2 =	seq.s32 @!p0 s5, $0x0  }
0x1f: {  	s9 =	smul.u32 $0xF7A, s1;
	s8 =	simm.s32 @!p0 $0x1BF5;
	p2 =	por !p2, p0  }
0x20: {  	[sflag:s8] =	ssyncset.s32 @!p0 $0xFFFFF086;
	s6 =	sadd.s32 @!p0 s3, s7;
	s7 =	simm.s32 @!p0 $0x108  }
0x21: {  	s3 =	sadd.s32 s3, s9;
	s6 =	sadd.s32 @!p0 $0x88, s6;
	s7 =	simm.s32 @p2 $0x1082  }
0x22: {  	[simem:s7], [sflag:s8] =	dma.local @!p0 [hbm:s6], $0xF7A  }
0x23: {  	s9 =	sor.u32 $0xD0000000, s2;
	s6 =	simm.s32 $0x108;
	_ =	swait.ge @!p0 [sflag:s8], $0x0  }
0x24: {  	s3 =	sadd.s32 $0x88, s3;
	s6 =	simm.s32 @!p1 $0x1082;
	[sflag:s4] =	ssyncset.s32 $0xFFFFF086  }
0x25: {  	[simem:s6], [sflag:s4] =	dma.local [hbm:s3], $0xF7A  }
0x26: {  	[smem:$0x3F99] =	sst s1;
	(tag) =	ssettag s2;
	_ =	strace s9  }
0x27: {  	s1 =	sld [smem:$0x3FA9]  }
0x28: {  	s2 =	sld [smem:$0x3FAA]  }
0x29: {  	s4 =	sld [smem:$0x3FAC]  }
0x2a: {  	p0 =	seq.s32 s5, $0x0;
	s5 =	sld [smem:$0x3FAD]  }
0x2b: {  	s6 =	sld [smem:$0x3FAE]  }
0x2c: {  	s7 =	sld [smem:$0x3FAF]  }
0x2d: {  	s3 =	simm.s32 $0x108;
	s8 =	sld [smem:$0x3FB0]  }
0x2e: {  	s3 =	simm.s32 @!p0 $0x1082;
	s9 =	sld [smem:$0x3FB1]  }
0x2f: {  	lr =	sadd.s32 s0, s3;
	s0 =	sld [smem:$0x3FA8]  }
0x30: {  	s3 =	sld [smem:$0x3FAB]  }
0x31: {  	[smem:$0x3FB4] =	sst s10  }
0x32: {  	s10 =	sld [smem:$0x3FB2];
	_ =	sdelay $0x3  }
0x33: {  	p0 =	seq.s32 s10, $0x1;
	s10 =	sld [smem:$0x3FB4];
	_ =	sdelay $0x3  }
0x34: {  	[smem:$0x3FB4] =	sst s10  }
0x35: {  	s10 =	sld [smem:$0x3FB3];
	_ =	sdelay $0x3  }
0x36: {  	p1 =	seq.s32 s10, $0x1;
	s10 =	sld [smem:$0x3FB4];
	_ =	sdelay $0x3  }
0x37: {  	[smem:$0x3FB4] =	sst s10  }
0x38: {  	s10 =	sld [smem:$0x3FB5]  }
0x39: {  	_ = 	snop;
	(pc) =	sbr.ind lr, $3  }
0x3a: {  	_ = 	snop  }
0x3b: {  	_ = 	snop  }
0x3c: {  	p2 =	seq.s32 s10, $0x1;
	s10 =	sld [smem:$0x3FB4]  }
0x3d: {  	_ =	shalt  }
0x3e: {  	_ =	shalt  }
0x3f: {  	_ =	shalt  }
0x40: {  	_ =	shalt  }
0x41: {  	_ =	shalt  }
0x42: {  	_ =	shalt  }
0x43: {  	_ =	shalt  }
0x44: {  	_ =	shalt  }
0x45: {  	_ =	shalt  }
0x46: {  	_ =	shalt  }
0x47: {  	_ =	shalt  }
0x48: {  	_ =	shalt  }
0x49: {  	_ =	shalt  }
0x4a: {  	_ =	shalt  }
0x4b: {  	_ =	shalt  }
0x4c: {  	_ =	shalt  }
0x4d: {  	_ =	shalt  }
0x4e: {  	_ =	shalt  }
0x4f: {  	_ =	shalt  }
0x50: {  	_ =	shalt  }
0x51: {  	_ =	shalt  }
0x52: {  	_ =	shalt  }
0x53: {  	_ =	shalt  }
0x54: {  	_ =	shalt  }
0x55: {  	_ =	shalt  }
0x56: {  	_ =	shalt  }
0x57: {  	_ =	shalt  }
0x58: {  	_ =	shalt  }
0x59: {  	_ =	shalt  }
0x5a: {  	_ =	shalt  }
0x5b: {  	_ =	shalt  }
0x5c: {  	_ =	shalt  }
0x5d: {  	_ =	shalt  }
0x5e: {  	_ =	shalt  }
0x5f: {  	_ =	shalt  }
0x60: {  	_ =	shalt  }
0x61: {  	_ =	shalt  }
0x62: {  	_ =	shalt  }
0x63: {  	_ =	shalt  }
0x64: {  	_ =	shalt  }
0x65: {  	_ =	shalt  }
0x66: {  	_ =	shalt  }
0x67: {  	_ =	shalt  }
0x68: {  	_ =	shalt  }
0x69: {  	_ =	shalt  }
0x6a: {  	_ =	shalt  }
0x6b: {  	_ =	shalt  }
0x6c: {  	_ =	shalt  }
0x6d: {  	_ =	shalt  }
0x6e: {  	_ =	shalt  }
0x6f: {  	_ =	shalt  }
0x70: {  	_ =	shalt  }
0x71: {  	_ =	shalt  }
0x72: {  	_ =	shalt  }
0x73: {  	_ =	shalt  }
0x74: {  	_ =	shalt  }
0x75: {  	_ =	shalt  }
0x76: {  	_ =	shalt  }
0x77: {  	_ =	shalt  }
0x78: {  	_ =	shalt  }
0x79: {  	_ =	shalt  }
0x7a: {  	_ =	shalt  }
0x7b: {  	_ =	shalt  }
0x7c: {  	_ =	shalt  }
0x7d: {  	_ =	shalt  }
0x7e: {  	_ =	shalt  }
0x7f: {  	_ =	shalt  }
0x80: {  	_ =	shalt  }
0x81: {  	_ =	shalt  }
0x82: {  	_ =	shalt  }
0x83: {  	_ =	shalt  }
0x84: {  	_ =	shalt  }
0x85: {  	_ =	shalt  }
0x86: {  	_ =	shalt  }
0x87: {  	_ =	shalt  }
.Lfunc_end0:
.L_simem_size_0:
called_computation.2_lowered:
.L_overlay_start_0:
0x88: {  	s2 =	sld [smem:$0x3FD9]  }
0x89: {  	s3 =	sld [smem:$0x3FFE];
	_ =	sdelay $0x1  }
0x8a: {  	s1 =	srdreg.scid  }
0x8b: {  	s0 =	sand.u32 $0x1, s1  }
0x8c: {  	s16 =	sshll.u32 s0, $0xA;
	s2 =	sadd.s32 s3, s2  }
0x8d: {  	s2 =	sadd.s32 s2, s16  }
0x8e: {  	[smem:$0x3FC0] =	sst s2  }
0x8f: {  	_ = 	snop  }
0x90: {  	(tm) =	ssettm $0x1  }
0x91: {  	s17 =	sld [smem:$0x3FFB];
	_ =	sdelay $0x3  }
0x92: {  	_ =	strace s17  }
0x93: {  	s2 =	sld [smem:$0x3FFC];
	_ =	sdelay $0x3  }
0x94: {  	_ =	strace s2  }
0x95: {  	s2 =	sld [smem:$0x3FFD];
	_ =	sdelay $0x3  }
0x96: {  	_ =	strace s2  }
0x97: {  	_ =	strace $0x8FFFFFFF  }
0x98: {  	s18 =	sld [smem:$0x3FDB];
	_ =	sdelay $0x1  }
0x99: {  	s19 =	simm.s32 $_scs_section_size  }
0x9a: {  	s4 =	simm.s32 $_size__tile_overlayer_lowered;
	s5 =	simm.s32 $_tile_overlayer_lowered  }
0x9b: {  	s22 =	simm.s32 $0x1BFF;
	s21 =	sshll.u32 s5, $0x1;
	s2 =	sadd.s32 s19, s18  }
0x9c: {  	s6 =	simm.s32 $0x0;
	s20 =	sshll.u32 s4, $0x1;
	s4 =	sadd.s32 s21, s2  }
0x9d: {  	[timem:s6], [sflag:s22] =	dma.local [hbm:s4], s20  }
0x9e: {  	_ =	swait.ge [sflag:s22], s20  }
0x9f: {  	s3 =	ssub.s32 $0x0, s20;
	[sflag:s22] =	ssyncset.done $0x0  }
0xa0: {  	[sflag:s22] =	ssyncadd.s32 s3;
	_ =	sdelay $0x1  }
0xa1: {  	s23 =	simm.s32 $0x1B8B  }
0xa2: {  	_ =	swait.ge [sflag:s23], $0x1  }
0xa3: {  	[sflag:s23] =	ssyncset.done $0x0  }
0xa4: {  	s25 =	simm.s32 $0x1B8E;
	s24 =	sld [smem:$0x3FFE];
	[sflag:s23] =	ssyncadd.s32 $0xFFFFFFFF  }
0xa5: {  	s26 =	simm.s32 $execute0_lowered;
	[smem:$0x3FD2] =	sst s25  }
0xa6: {  	s4 =	sshll.u32 s26, $0x1;
	_ =	strace $0x8000004C;
	[dreg:$0x1] =	wrdreg $0xFFFFFFFF  }
0xa7: {  	s28 =	simm.s32 $_size_execute0_lowered;
	s2 =	sadd.s32 s2, s4;
	[dreg:$0x0] =	wrdreg $0x0  }
0xa8: {  	s4 =	sshll.u32 s28, $0x1;
	[dreg:$0x2] =	wrdreg s2  }
0xa9: {  	[dreg:$0x3] =	wrdreg s4  }
0xaa: {  	[dreg:$0x4] =	wrdreg $0xC0  }
0xab: {  	_ =	task [dreg:s6], $0x5FFFF  }
0xac: {  	[dreg:$0x1] =	wrdreg $0xFFFFFFFF  }
0xad: {  	[dreg:$0x0] =	wrdreg $0x60  }
0xae: {  	[dreg:$0x2] =	wrdreg s24  }
0xaf: {  	[dreg:$0x3] =	wrdreg $0xA8000  }
0xb0: {  	[dreg:$0x4] =	wrdreg $0x9  }
0xb1: {  	_ =	task.clear_ibuf [dreg:s6], $0x5FFFF;
	_ =	strace $0x9000004C  }
0xb2: {  	s29 =	simm.s32 $0x9;
	_ =	strace $0x8000004E  }
0xb3: {  	_ =	swait.ge [sflag:s29], $0x1  }
0xb4: {  	[sflag:s29] =	ssyncadd.s32 $0xFFFFFFFF  }
0xb5: {  	_ =	strace $0x9000004E  }
0xb6: {  	_ =	sfence  }
0xb7: {  	s30 =	sld [smem:$0x0];
	_ =	sdelay $0x2  }
0xb8: {  	s31 =	sshll.u32 s1, $0xD;
	s1 =	sshrl.u32 s1, $0x2  }
0xb9: {  	s3 =	sand.u32 $0x4000, s31;
	s1 =	sadd.s32 s1, s30  }
0xba: {  	s0 =	sor.u32 s3, s0;
	s1 =	sshll.u32 s1, $0x11  }
0xbb: {  	s0 =	sor.u32 s1, s0  }
0xbc: {  	s0 =	sadd.s32 $0x8F2B, s0  }
0xbd: {  	[sflag:s0] =	ssyncadd.remote.s32 $0x1  }
0xbe: {  	_ =	sfence.sel $0xFFFF  }
0xbf: {  	[dreg:$0x0] =	wrdreg $0xFFFFFFFF;
	(pc) =	sbr.abs _section_cstart, $3  }
0xc0: {  	[dreg:$0x1] =	wrdreg $0xFFFFFFFF  }
0xc1: {  	_ =	task.clear_ibuf [dreg:s6], $0x2FFFF;
	_ =	strace $0x9FFFFFFF  }
0xc2: {  	(tm) =	ssettm $0x7FFFFFFF  }
0xc3: {  	_ =	shalt  }
tec
execute0_lowered:
.L_overlay_start_1:
0x0: {  	(tag) =	ssettag $0x1  }
0x1: {  	s6 =	rddreg [dreg:$0x0]  }
0x2: {  	s1 =	rddreg [dreg:$0x1]  }
0x3: {  	s0 =	rddreg [dreg:$0x2];
	s2 =	simm.s32 $0x0  }
0x4: {  	s7 =	srdreg.scid;
	s3 =	stileid.u32;
	s19 =	simm.s32 $0x80  }
0x5: {  	s20 =	simm.s32 $0x2800;
	s21 =	simm.s32 $0x6800;
	s22 =	simm.s32 $0x2  }
0x6: {  	s23 =	simm.s32 $0x2700;
	[smem:$0x7FF] =	sst s2;
	s10 =	sadd.s32 $0x15200, s6  }
0x7: {  	s11 =	sadd.s32 $0xE00, s6;
	s4 =	sadd.s32 $0x1F200, s6;
	s13 =	smul.u32 $0x2780, s3  }
0x8: {  	s5 =	sadd.s32 $0x5E00, s6;
	s12 =	sand.u32 $0x1, s7;
	s14 =	smul.u32 $0x4F000, s3  }
0x9: {  	s8 =	sshll.u32 s3, $0x1;
	s15 =	sadd.s32 $0x6D400, s6;
	s26 =	smul.u32 $0x500, s3  }
0xa: {  	s28 =	sshll.u32 s3, $0x6;
	s29 =	smul.u32 $0x2800, s3;
	p0 =	seq.s32 s3, $0xF  }
0xb: {  	_ =	strace $0x8000004D;
	s7 =	sshll.u32 s12, $0x5;
	s18 =	smul.u32 $0x138800, s12  }
0xc: {  	s9 =	ssub.s32 $0x2, s12;
	s12 =	smul.u32 $0x27100, s12;
	s7 =	sor.u32 s8, s7  }
0xd: {  	s24 =	sshrl.u32 s9, $0x1;
	s25 =	sshrl.u32 s14, $0x2;
	s14 =	sshrl.u32 s29, $0x3  }
0xe: {  	s8 =	smul.u32 $0x280, s7;
	s16 =	ssub.s32 s9, s24;
	s6 =	sadd.s32 s25, s1  }
0xf: {  	s17 =	smul.u32 $0x1400, s7;
	s7 =	sor.u32 $0x1C01, s28;
	s9 =	sadd.s32 s11, s26  }
0x10: {  	s11 =	sadd.s32 s11, s14;
	s30 =	sshrl.u32 s18, $0x3;
	s12 =	sadd.s32 s13, s12  }
0x11: {  	s18 =	simm.s32 $0x1;
	s24 =	simm.s32 $0x2780;
	s25 =	simm.s32 $0x0  }
0x12: {  	s11 =	sadd.s32 $0x280, s11;
	s31 =	sadd.s32 s15, s30;
	s12 =	sadd.s32 s15, s12  }
0x13: {  	s14 =	smax.u32 s16, $0x1;
	s15 =	sshrl.u32 s6, $0x3;
	s17 =	sshrl.u32 s17, $0x3  }
0x14: {  	s16 =	simm.s32 $0x3;
	s8 =	sadd.s32 s10, s8;
	s10 =	sadd.s32 s10, s17  }
0x15: {  	s13 =	sadd.s32 $0x25080, s31;
	s17 =	simm.s32 $0x1400;
	s10 =	sadd.s32 $0x280, s10  }
.LBB2_1:
0x16: {  	[spmem:s15], [sflag:s7] =	dma.local [hbm:s5], $0x2780  }
0x17: {  	[tilespmem:s2], [sflag:$0x3] =	stream.linear.gather [hbm4b:s8+s2], $0x1400, $0x38;
	[tilespmem:$0x1E400] =	vst v63  }
0x18: {  	_ =	swait.ge [sflag:s16], $0x1400  }
0x19: {  	[sflag:s16] =	ssyncset.done $0x0  }
0x1a: {  	[sflag:s16] =	ssyncadd.s32 $0xFFFFEC00  }
0x1b: {  	[tilespmem:s17], [sflag:$0x3] =	stream.linear.gather [hbm4b:s9+s2], $0x1400, $0x38;
	[tilespmem:$0x1E400] =	vst v63  }
0x1c: {  	_ =	swait.ge [sflag:s16], $0x1400  }
0x1d: {  	[sflag:s16] =	ssyncset.done $0x0  }
0x1e: {  	[sflag:s16] =	ssyncadd.s32 $0xFFFFEC00  }
0x1f: {  	_ =	swait.ge [sflag:s18], $0x2780  }
0x20: {  	[sflag:s18] =	ssyncset.done $0x0  }
0x21: {  	[sflag:s18] =	ssyncadd.s32 $0xFFFFD880  }
0x22: {  	[bflag:$0x0] =	sbarrier.arrive $0xFFFF  }
0x23: {  	[tilespmem:s20], [sflag:$0x1] =	stream.indirect.gather [hbm4b:s4+s19], $0x80, s2, s19, $0xb8;
	[tilespmem:$0x1E400] =	vst v63  }
0x24: {  	_ = 	snop  }
0x25: {  	[tilespmem:s21], [sflag:$0x2] =	stream.indirect.gather [hbm4b:s4+s19], $0x80, s19, s19, $0xb8;
	[tilespmem:$0x1E400] =	vst v63  }
0x26: {  	_ =	swait.ge [sflag:s18], $0x4000  }
0x27: {  	[sflag:s18] =	ssyncset.done $0x0  }
0x28: {  	s26 =	simm.s32 $0x1400;
	[sflag:s18] =	ssyncadd.s32 $0xFFFFC000  }
0x29: {  	[spmem:s1] =	stream.indirect.scatter.add.f32 [tilespmem:s20], [sflag:$0x3], $0x80, s26, s19, $0xb8;
	[tilespmem:$0x1E400] =	vst v63  }
0x2a: {  	_ =	swait.ge [sflag:s16], $0x4000  }
0x2b: {  	[sflag:s16] =	ssyncset.done $0x0  }
0x2c: {  	s30 =	simm.s32 $0x100;
	[sflag:s16] =	ssyncadd.s32 $0xFFFFC000  }
0x2d: {  	[tilespmem:s20], [sflag:$0x1] =	stream.indirect.gather [hbm4b:s4+s19], $0x80, s30, s19, $0xb8;
	[tilespmem:$0x1E400] =	vst v63  }
0x2e: {  	_ =	swait.ge [sflag:s22], $0x4000  }
0x2f: {  	[sflag:s22] =	ssyncset.done $0x0  }
0x30: {  	s31 =	simm.s32 $0x1480;
	[sflag:s22] =	ssyncadd.s32 $0xFFFFC000  }
0x31: {  	[spmem:s1] =	stream.indirect.scatter.add.f32 [tilespmem:s21], [sflag:$0x3], $0x80, s31, s19, $0xb8;
	[tilespmem:$0x1E400] =	vst v63  }
0x32: {  	_ =	swait.ge [sflag:s16], $0x4000  }
0x33: {  	[sflag:s16] =	ssyncset.done $0x0  }
0x34: {  	s28 =	simm.s32 $0x180;
	s26 =	simm.s32 $0x400;
	[sflag:s16] =	ssyncadd.s32 $0xFFFFC000  }
.LBB2_2:
0x35: {  	[tilespmem:s21], [sflag:$0x2] =	stream.indirect.gather [hbm4b:s4+s19], $0x80, s28, s19, $0xb8;
	[tilespmem:$0x1E400] =	vst v63  }
0x36: {  	s28 =	smov.u32 s26  }
0x37: {  	p1 =	sne.s32 s26, $0x4800;
	s26 =	sadd.s32 $0x400, s26;
	_ =	swait.ge [sflag:s18], $0x4000  }
0x38: {  	s28 =	sshra.s32 s28, $0x2;
	[sflag:s18] =	ssyncset.done $0x0  }
0x39: {  	s29 =	sadd.s32 $0x1400, s28;
	[sflag:s18] =	ssyncadd.s32 $0xFFFFC000  }
0x3a: {  	[spmem:s1] =	stream.indirect.scatter.add.f32 [tilespmem:s20], [sflag:$0x3], $0x80, s29, s19, $0xb8;
	[tilespmem:$0x1E400] =	vst v63  }
0x3b: {  	_ =	swait.ge [sflag:s16], $0x4000  }
0x3c: {  	[sflag:s16] =	ssyncset.done $0x0  }
0x3d: {  	s29 =	sadd.s32 $0x100, s28;
	[sflag:s16] =	ssyncadd.s32 $0xFFFFC000  }
0x3e: {  	[tilespmem:s20], [sflag:$0x1] =	stream.indirect.gather [hbm4b:s4+s19], $0x80, s29, s19, $0xb8;
	[tilespmem:$0x1E400] =	vst v63  }
0x3f: {  	_ =	swait.ge [sflag:s22], $0x4000  }
0x40: {  	[sflag:s22] =	ssyncset.done $0x0  }
.Ltmp0:
0x41: {  	s29 =	sadd.s32 $0x1480, s28;
	[sflag:s22] =	ssyncadd.s32 $0xFFFFC000;
	(pc) =	sbr.rel @p1 .LBB2_2-.Ltmp0, $4  }
0x42: {  	[spmem:s1] =	stream.indirect.scatter.add.f32 [tilespmem:s21], [sflag:$0x3], $0x80, s29, s19, $0xb8;
	[tilespmem:$0x1E400] =	vst v63  }
0x43: {  	_ =	swait.ge [sflag:s16], $0x4000  }
0x44: {  	[sflag:s16] =	ssyncset.done $0x0  }
0x45: {  	s28 =	sadd.s32 $0x180, s28;
	[sflag:s16] =	ssyncadd.s32 $0xFFFFC000  }
0x46: {  	[tilespmem:s21], [sflag:$0x2] =	stream.indirect.gather [hbm4b:s4+s19], $0x80, s28, s19, $0xb8;
	[tilespmem:$0x1E400] =	vst v63  }
0x47: {  	_ =	swait.ge [sflag:s18], $0x4000  }
0x48: {  	[sflag:s18] =	ssyncset.done $0x0  }
0x49: {  	[sflag:s18] =	ssyncadd.s32 $0xFFFFC000  }
0x4a: {  	[spmem:s1] =	stream.indirect.scatter.add.f32 [tilespmem:s20], [sflag:$0x3], $0x80, s23, s19, $0xb8;
	[tilespmem:$0x1E400] =	vst v63  }
0x4b: {  	_ =	swait.ge [sflag:s16], $0x4000  }
0x4c: {  	[sflag:s16] =	ssyncset.done $0x0  }
0x4d: {  	[sflag:s16] =	ssyncadd.s32 $0xFFFFC000  }
0x4e: {  	_ =	swait.ge [sflag:s22], $0x4000  }
0x4f: {  	[sflag:s22] =	ssyncset.done $0x0  }
0x50: {  	[sflag:s22] =	ssyncadd.s32 $0xFFFFC000  }
0x51: {  	[spmem:s1] =	stream.indirect.scatter.add.f32 [tilespmem:s21], [sflag:$0x3], $0x80, s24, s19, $0xb8;
	[tilespmem:$0x1E400] =	vst v63  }
0x52: {  	_ =	swait.ge [sflag:s16], $0x4000  }
0x53: {  	[sflag:s16] =	ssyncset.done $0x0  }
0x54: {  	s26 =	simm.s32 $0x0;
	[sflag:s16] =	ssyncadd.s32 $0xFFFFC000  }
0x55: {  	[tilespmem:s26], [sflag:$0x3] =	stream.linear.gather [hbm4b:s10+s26], $0x1400, $0x38;
	[tilespmem:$0x1E400] =	vst v63  }
0x56: {  	_ =	swait.ge [sflag:s16], $0x1400  }
0x57: {  	[sflag:s16] =	ssyncset.done $0x0  }
0x58: {  	[sflag:s16] =	ssyncadd.s32 $0xFFFFEC00  }
0x59: {  	[tilespmem:s17], [sflag:$0x3] =	stream.linear.gather [hbm4b:s11+s26], $0x1400, $0x38;
	[tilespmem:$0x1E400] =	vst v63  }
0x5a: {  	_ =	swait.ge [sflag:s16], $0x1400  }
0x5b: {  	[sflag:s16] =	ssyncset.done $0x0  }
0x5c: {  	[sflag:s16] =	ssyncadd.s32 $0xFFFFEC00  }
0x5d: {  	[tilespmem:s20], [sflag:$0x1] =	stream.indirect.gather [hbm4b:s4+s19], $0x80, s26, s19, $0xb8;
	[tilespmem:$0x1E400] =	vst v63  }
0x5e: {  	_ = 	snop  }
0x5f: {  	[tilespmem:s21], [sflag:$0x2] =	stream.indirect.gather [hbm4b:s4+s19], $0x80, s19, s19, $0xb8;
	[tilespmem:$0x1E400] =	vst v63  }
0x60: {  	_ =	swait.ge [sflag:s18], $0x4000  }
0x61: {  	[sflag:s18] =	ssyncset.done $0x0  }
0x62: {  	s29 =	simm.s32 $0x1400;
	[sflag:s18] =	ssyncadd.s32 $0xFFFFC000  }
0x63: {  	[spmem:s1] =	stream.indirect.scatter.add.f32 [tilespmem:s20], [sflag:$0x3], $0x80, s29, s19, $0xb8;
	[tilespmem:$0x1E400] =	vst v63  }
0x64: {  	_ =	swait.ge [sflag:s16], $0x4000  }
0x65: {  	[sflag:s16] =	ssyncset.done $0x0  }
0x66: {  	s30 =	simm.s32 $0x100;
	[sflag:s16] =	ssyncadd.s32 $0xFFFFC000  }
0x67: {  	[tilespmem:s20], [sflag:$0x1] =	stream.indirect.gather [hbm4b:s4+s19], $0x80, s30, s19, $0xb8;
	[tilespmem:$0x1E400] =	vst v63  }
0x68: {  	_ =	swait.ge [sflag:s22], $0x4000  }
0x69: {  	[sflag:s22] =	ssyncset.done $0x0  }
0x6a: {  	s31 =	simm.s32 $0x1480;
	[sflag:s22] =	ssyncadd.s32 $0xFFFFC000  }
0x6b: {  	[spmem:s1] =	stream.indirect.scatter.add.f32 [tilespmem:s21], [sflag:$0x3], $0x80, s31, s19, $0xb8;
	[tilespmem:$0x1E400] =	vst v63  }
0x6c: {  	_ =	swait.ge [sflag:s16], $0x4000  }
0x6d: {  	[sflag:s16] =	ssyncset.done $0x0  }
0x6e: {  	s28 =	simm.s32 $0x180;
	s26 =	simm.s32 $0x400;
	[sflag:s16] =	ssyncadd.s32 $0xFFFFC000  }
.LBB2_4:
0x6f: {  	[tilespmem:s21], [sflag:$0x2] =	stream.indirect.gather [hbm4b:s4+s19], $0x80, s28, s19, $0xb8;
	[tilespmem:$0x1E400] =	vst v63  }
0x70: {  	s28 =	smov.u32 s26  }
0x71: {  	p1 =	sne.s32 s26, $0x4800;
	s26 =	sadd.s32 $0x400, s26;
	_ =	swait.ge [sflag:s18], $0x4000  }
0x72: {  	s28 =	sshra.s32 s28, $0x2;
	[sflag:s18] =	ssyncset.done $0x0  }
0x73: {  	s29 =	sadd.s32 $0x1400, s28;
	[sflag:s18] =	ssyncadd.s32 $0xFFFFC000  }
0x74: {  	[spmem:s1] =	stream.indirect.scatter.add.f32 [tilespmem:s20], [sflag:$0x3], $0x80, s29, s19, $0xb8;
	[tilespmem:$0x1E400] =	vst v63  }
0x75: {  	_ =	swait.ge [sflag:s16], $0x4000  }
0x76: {  	[sflag:s16] =	ssyncset.done $0x0  }
0x77: {  	s29 =	sadd.s32 $0x100, s28;
	[sflag:s16] =	ssyncadd.s32 $0xFFFFC000  }
0x78: {  	[tilespmem:s20], [sflag:$0x1] =	stream.indirect.gather [hbm4b:s4+s19], $0x80, s29, s19, $0xb8;
	[tilespmem:$0x1E400] =	vst v63  }
0x79: {  	_ =	swait.ge [sflag:s22], $0x4000  }
0x7a: {  	[sflag:s22] =	ssyncset.done $0x0  }
.Ltmp1:
0x7b: {  	s29 =	sadd.s32 $0x1480, s28;
	[sflag:s22] =	ssyncadd.s32 $0xFFFFC000;
	(pc) =	sbr.rel @p1 .LBB2_4-.Ltmp1, $4  }
0x7c: {  	[spmem:s1] =	stream.indirect.scatter.add.f32 [tilespmem:s21], [sflag:$0x3], $0x80, s29, s19, $0xb8;
	[tilespmem:$0x1E400] =	vst v63  }
0x7d: {  	_ =	swait.ge [sflag:s16], $0x4000  }
0x7e: {  	[sflag:s16] =	ssyncset.done $0x0  }
0x7f: {  	s28 =	sadd.s32 $0x180, s28;
	[sflag:s16] =	ssyncadd.s32 $0xFFFFC000  }
0x80: {  	[tilespmem:s21], [sflag:$0x2] =	stream.indirect.gather [hbm4b:s4+s19], $0x80, s28, s19, $0xb8;
	[tilespmem:$0x1E400] =	vst v63  }
0x81: {  	_ =	swait.ge [sflag:s18], $0x4000  }
0x82: {  	[sflag:s18] =	ssyncset.done $0x0  }
0x83: {  	[sflag:s18] =	ssyncadd.s32 $0xFFFFC000  }
0x84: {  	[spmem:s1] =	stream.indirect.scatter.add.f32 [tilespmem:s20], [sflag:$0x3], $0x80, s23, s19, $0xb8;
	[tilespmem:$0x1E400] =	vst v63  }
0x85: {  	_ =	swait.ge [sflag:s16], $0x4000  }
0x86: {  	[sflag:s16] =	ssyncset.done $0x0  }
0x87: {  	[sflag:s16] =	ssyncadd.s32 $0xFFFFC000  }
0x88: {  	_ =	swait.ge [sflag:s22], $0x4000  }
0x89: {  	[sflag:s22] =	ssyncset.done $0x0  }
0x8a: {  	[sflag:s22] =	ssyncadd.s32 $0xFFFFC000  }
0x8b: {  	[spmem:s1] =	stream.indirect.scatter.add.f32 [tilespmem:s21], [sflag:$0x3], $0x80, s24, s19, $0xb8;
	[tilespmem:$0x1E400] =	vst v63  }
0x8c: {  	_ =	swait.ge [sflag:s16], $0x4000  }
0x8d: {  	[sflag:s16] =	ssyncset.done $0x0  }
0x8e: {  	[sflag:s16] =	ssyncadd.s32 $0xFFFFC000  }
0x8f: {  	s26 =	sshrl.u32 @p0 s6, $0x3;
	s28 =	simm.s32 @p0 $0x1FC3;
	[bflag:$0x0] =	sbarrier.arrive $0xFFFF  }
0x90: {  	[hbm:s13], [sflag:s28] =	dma.local @p0 [spmem:s26], $0x2080  }
0x91: {  	s26 =	simm.s32 @p0 $0x3  }
0x92: {  	s25 =	sadd.s32 $0x1, s25;
	_ =	swait.ge @p0 [sflag:s26], $0x2080  }
0x93: {  	p1 =	sne.s32 s25, s14;
	s28 =	sshll.u32 @!p0 s3, $0x6;
	[sflag:s26] =	ssyncset.done @p0 $0x0  }
0x94: {  	[sflag:s26] =	ssyncadd.s32 @p0 $0xFFFFDF80;
	s26 =	sor.u32 @!p0 $0x1C03, s28;
	s28 =	sshrl.u32 @!p0 s6, $0x3  }
0x95: {  	[hbm:s12], [sflag:s26] =	dma.local @!p0 [spmem:s28], $0x2780  }
.Ltmp2:
0x96: {  	_ = 	snop;
	(pc) =	sbr.rel @p1 .LBB2_1-.Ltmp2, $4  }
0x97: {  	s26 =	simm.s32 @!p0 $0x3  }
0x98: {  	_ =	swait.ge @!p0 [sflag:s26], $0x2780  }
0x99: {  	[sflag:s26] =	ssyncset.done @!p0 $0x0  }
0x9a: {  	[sflag:s26] =	ssyncadd.s32 @!p0 $0xFFFFD880  }
0x9b: {  	_ =	sfence.sel $0x180000  }
0x9c: {  	[bflag:$0x0] =	sbarrier.arrive $0xFFFF  }
0x9d: {  	p0 =	sne.s32 s3, $0x0;
	_ =	strace $0x9000004D  }
0x9e: {  	s0 =	sadd.s32 @!p0 $0x100000, s0;
	[bflag:$0x2] =	sbarrier.arrive $0xFFFF  }
0x9f: {  	[sflag:s0] =	ssyncadd.tile.s32 @!p0 $0x1;
	_ =	shalt  }
.Lfunc_end2:
_tile_overlayer_lowered:
.L_overlay_start_2:
0xa0: {  	(tag) =	ssettag $0x2  }
0xa1: {  	s0 =	rddreg [dreg:$0x0];
	s2 =	stileid.u32  }
0xa2: {  	s1 =	rddreg [dreg:$0x1];
	p0 =	sne.s32 s2, $0x0  }
0xa3: {  	s3 =	rddreg [dreg:$0x2];
	[bflag:$0x3] =	sbarrier.arrive $0xFFFF;
	s2 =	simm.s32 @!p0 $0x1C03  }
0xa4: {  	[timem:s3], [sflag:s2] =	dma.local @!p0 [hbm:s0], s1  }
0xa5: {  	s0 =	simm.s32 @!p0 $0x3  }
0xa6: {  	_ =	swait.ge @!p0 [sflag:s0], s1  }
0xa7: {  	s1 =	ssub.s32 @!p0 $0x0, s1;
	[sflag:s0] =	ssyncset.done @!p0 $0x0  }
0xa8: {  	[sflag:s0] =	ssyncadd.s32 @!p0 s1  }
0xa9: {  	[bflag:$0x3] =	sbarrier.arrive $0xFFFF  }
0xaa: {  	_ =	shalt  }

// kernel: kernel.18.cloned.1.call-start
scs
__scs_entry_jumppad:
0x0: {  	(pc) =	sbr.rel $0x88, $3  }
0x1: {  	(tag) =	ssettag $0x0;
	lr =	simm.s32 $0x1  }
0x2: {  	[smem:$0x3F99] =	sst lr;
	_ =	strace $0xD0000000  }
0x3: {  	_ = 	snop  }
0x4: {  	_ = 	snop  }
0x5: {  	_ = 	snop  }
0x6: {  	_ = 	snop  }
0x7: {  	_ = 	snop  }
__scs_overlays_trampoline_lowered:
0x8: {  	[smem:$0x3FA8] =	sst s0  }
0x9: {  	[smem:$0x3FA9] =	sst s1  }
0xa: {  	[smem:$0x3FAA] =	sst s2  }
0xb: {  	[smem:$0x3FAB] =	sst s3  }
0xc: {  	[smem:$0x3FAC] =	sst s4  }
0xd: {  	[smem:$0x3FAD] =	sst s5  }
0xe: {  	[smem:$0x3FAE] =	sst s6  }
0xf: {  	[smem:$0x3FAF] =	sst s7  }
0x10: {  	[smem:$0x3FB0] =	sst s8  }
0x11: {  	[smem:$0x3FB1] =	sst s9;
	s0 =	simm.s32 @!p0 $0x0  }
0x12: {  	s1 =	sld [smem:$0x3F97];
	s0 =	simm.s32 @p0 $0x1  }
0x13: {  	[smem:$0x3FB2] =	sst s0;
	s0 =	simm.s32 @!p1 $0x0  }
0x14: {  	s2 =	sld [smem:$0x3F96];
	s0 =	simm.s32 @p1 $0x1  }
0x15: {  	[smem:$0x3FB3] =	sst s0;
	s0 =	simm.s32 @!p2 $0x0  }
0x16: {  	s3 =	sld [smem:$0x3FDB];
	s0 =	simm.s32 @p2 $0x1  }
0x17: {  	s4 =	simm.s32 $0x1BF5;
	[smem:$0x3FB5] =	sst s0  }
0x18: {  	s0 =	sld [smem:$0x3F98];
	_ =	swait.ge [sflag:s4], $0x0  }
0x19: {  	s7 =	sld [smem:$0x3F99]  }
0x1a: {  	s8 =	sadd.s32 $0xFFFFE003, lr  }
0x1b: {  	s9 =	sadd.s32 $0xFFFFFEF7, lr;
	s5 =	simm.s32 $0xFFFFFFFF;
	p2 =	slt.u32 s8, $0xFFFFF086  }
0x1c: {  	p1 =	slt.u32 s9, $0xF7A;
	s5 =	simm.s32 @!p2 $0x0  }
0x1d: {  	s5 =	simm.s32 @p1 $0x1;
	p0 =	seq.s32 s7, s2  }
0x1e: {  	s7 =	smul.u32 @!p0 $0xF7A, s2;
	p2 =	seq.s32 @!p0 s5, $0x0  }
0x1f: {  	s9 =	smul.u32 $0xF7A, s1;
	s8 =	simm.s32 @!p0 $0x1BF5;
	p2 =	por !p2, p0  }
0x20: {  	[sflag:s8] =	ssyncset.s32 @!p0 $0xFFFFF086;
	s6 =	sadd.s32 @!p0 s3, s7;
	s7 =	simm.s32 @!p0 $0x108  }
0x21: {  	s3 =	sadd.s32 s3, s9;
	s6 =	sadd.s32 @!p0 $0x88, s6;
	s7 =	simm.s32 @p2 $0x1082  }
0x22: {  	[simem:s7], [sflag:s8] =	dma.local @!p0 [hbm:s6], $0xF7A  }
0x23: {  	s9 =	sor.u32 $0xD0000000, s2;
	s6 =	simm.s32 $0x108;
	_ =	swait.ge @!p0 [sflag:s8], $0x0  }
0x24: {  	s3 =	sadd.s32 $0x88, s3;
	s6 =	simm.s32 @!p1 $0x1082;
	[sflag:s4] =	ssyncset.s32 $0xFFFFF086  }
0x25: {  	[simem:s6], [sflag:s4] =	dma.local [hbm:s3], $0xF7A  }
0x26: {  	[smem:$0x3F99] =	sst s1;
	(tag) =	ssettag s2;
	_ =	strace s9  }
0x27: {  	s1 =	sld [smem:$0x3FA9]  }
0x28: {  	s2 =	sld [smem:$0x3FAA]  }
0x29: {  	s4 =	sld [smem:$0x3FAC]  }
0x2a: {  	p0 =	seq.s32 s5, $0x0;
	s5 =	sld [smem:$0x3FAD]  }
0x2b: {  	s6 =	sld [smem:$0x3FAE]  }
0x2c: {  	s7 =	sld [smem:$0x3FAF]  }
0x2d: {  	s3 =	simm.s32 $0x108;
	s8 =	sld [smem:$0x3FB0]  }
0x2e: {  	s3 =	simm.s32 @!p0 $0x1082;
	s9 =	sld [smem:$0x3FB1]  }
0x2f: {  	lr =	sadd.s32 s0, s3;
	s0 =	sld [smem:$0x3FA8]  }
0x30: {  	s3 =	sld [smem:$0x3FAB]  }
0x31: {  	[smem:$0x3FB4] =	sst s10  }
0x32: {  	s10 =	sld [smem:$0x3FB2];
	_ =	sdelay $0x3  }
0x33: {  	p0 =	seq.s32 s10, $0x1;
	s10 =	sld [smem:$0x3FB4];
	_ =	sdelay $0x3  }
0x34: {  	[smem:$0x3FB4] =	sst s10  }
0x35: {  	s10 =	sld [smem:$0x3FB3];
	_ =	sdelay $0x3  }
0x36: {  	p1 =	seq.s32 s10, $0x1;
	s10 =	sld [smem:$0x3FB4];
	_ =	sdelay $0x3  }
0x37: {  	[smem:$0x3FB4] =	sst s10  }
0x38: {  	s10 =	sld [smem:$0x3FB5]  }
0x39: {  	_ = 	snop;
	(pc) =	sbr.ind lr, $3  }
0x3a: {  	_ = 	snop  }
0x3b: {  	_ = 	snop  }
0x3c: {  	p2 =	seq.s32 s10, $0x1;
	s10 =	sld [smem:$0x3FB4]  }
0x3d: {  	_ =	shalt  }
0x3e: {  	_ =	shalt  }
0x3f: {  	_ =	shalt  }
0x40: {  	_ =	shalt  }
0x41: {  	_ =	shalt  }
0x42: {  	_ =	shalt  }
0x43: {  	_ =	shalt  }
0x44: {  	_ =	shalt  }
0x45: {  	_ =	shalt  }
0x46: {  	_ =	shalt  }
0x47: {  	_ =	shalt  }
0x48: {  	_ =	shalt  }
0x49: {  	_ =	shalt  }
0x4a: {  	_ =	shalt  }
0x4b: {  	_ =	shalt  }
0x4c: {  	_ =	shalt  }
0x4d: {  	_ =	shalt  }
0x4e: {  	_ =	shalt  }
0x4f: {  	_ =	shalt  }
0x50: {  	_ =	shalt  }
0x51: {  	_ =	shalt  }
0x52: {  	_ =	shalt  }
0x53: {  	_ =	shalt  }
0x54: {  	_ =	shalt  }
0x55: {  	_ =	shalt  }
0x56: {  	_ =	shalt  }
0x57: {  	_ =	shalt  }
0x58: {  	_ =	shalt  }
0x59: {  	_ =	shalt  }
0x5a: {  	_ =	shalt  }
0x5b: {  	_ =	shalt  }
0x5c: {  	_ =	shalt  }
0x5d: {  	_ =	shalt  }
0x5e: {  	_ =	shalt  }
0x5f: {  	_ =	shalt  }
0x60: {  	_ =	shalt  }
0x61: {  	_ =	shalt  }
0x62: {  	_ =	shalt  }
0x63: {  	_ =	shalt  }
0x64: {  	_ =	shalt  }
0x65: {  	_ =	shalt  }
0x66: {  	_ =	shalt  }
0x67: {  	_ =	shalt  }
0x68: {  	_ =	shalt  }
0x69: {  	_ =	shalt  }
0x6a: {  	_ =	shalt  }
0x6b: {  	_ =	shalt  }
0x6c: {  	_ =	shalt  }
0x6d: {  	_ =	shalt  }
0x6e: {  	_ =	shalt  }
0x6f: {  	_ =	shalt  }
0x70: {  	_ =	shalt  }
0x71: {  	_ =	shalt  }
0x72: {  	_ =	shalt  }
0x73: {  	_ =	shalt  }
0x74: {  	_ =	shalt  }
0x75: {  	_ =	shalt  }
0x76: {  	_ =	shalt  }
0x77: {  	_ =	shalt  }
0x78: {  	_ =	shalt  }
0x79: {  	_ =	shalt  }
0x7a: {  	_ =	shalt  }
0x7b: {  	_ =	shalt  }
0x7c: {  	_ =	shalt  }
0x7d: {  	_ =	shalt  }
0x7e: {  	_ =	shalt  }
0x7f: {  	_ =	shalt  }
0x80: {  	_ =	shalt  }
0x81: {  	_ =	shalt  }
0x82: {  	_ =	shalt  }
0x83: {  	_ =	shalt  }
0x84: {  	_ =	shalt  }
0x85: {  	_ =	shalt  }
0x86: {  	_ =	shalt  }
0x87: {  	_ =	shalt  }
.Lfunc_end0:
.L_simem_size_0:
called_computation.3_lowered:
.L_overlay_start_0:
0x88: {  	s2 =	sld [smem:$0x3FD9]  }
0x89: {  	s3 =	sld [smem:$0x3FFE];
	_ =	sdelay $0x1  }
0x8a: {  	s1 =	srdreg.scid  }
0x8b: {  	s0 =	sand.u32 $0x1, s1  }
0x8c: {  	s16 =	sshll.u32 s0, $0xA;
	s2 =	sadd.s32 s3, s2  }
0x8d: {  	s2 =	sadd.s32 s2, s16  }
0x8e: {  	[smem:$0x3FC0] =	sst s2  }
0x8f: {  	_ = 	snop  }
0x90: {  	(tm) =	ssettm $0x1  }
0x91: {  	s17 =	sld [smem:$0x3FFB];
	_ =	sdelay $0x3  }
0x92: {  	_ =	strace s17  }
0x93: {  	s2 =	sld [smem:$0x3FFC];
	_ =	sdelay $0x3  }
0x94: {  	_ =	strace s2  }
0x95: {  	s2 =	sld [smem:$0x3FFD];
	_ =	sdelay $0x3  }
0x96: {  	_ =	strace s2  }
0x97: {  	_ =	strace $0x8FFFFFFF  }
0x98: {  	s18 =	sld [smem:$0x3FDB];
	_ =	sdelay $0x1  }
0x99: {  	s19 =	simm.s32 $_scs_section_size  }
0x9a: {  	s4 =	simm.s32 $_size__tile_overlayer_lowered;
	s5 =	simm.s32 $_tile_overlayer_lowered  }
0x9b: {  	s22 =	simm.s32 $0x1BFF;
	s21 =	sshll.u32 s5, $0x1;
	s2 =	sadd.s32 s19, s18  }
0x9c: {  	s6 =	simm.s32 $0x0;
	s20 =	sshll.u32 s4, $0x1;
	s4 =	sadd.s32 s21, s2  }
0x9d: {  	[timem:s6], [sflag:s22] =	dma.local [hbm:s4], s20  }
0x9e: {  	_ =	swait.ge [sflag:s22], s20  }
0x9f: {  	s3 =	ssub.s32 $0x0, s20;
	[sflag:s22] =	ssyncset.done $0x0  }
0xa0: {  	[sflag:s22] =	ssyncadd.s32 s3;
	_ =	sdelay $0x1  }
0xa1: {  	s23 =	simm.s32 $0x1B8B  }
0xa2: {  	_ =	swait.ge [sflag:s23], $0x1  }
0xa3: {  	[sflag:s23] =	ssyncset.done $0x0  }
0xa4: {  	s25 =	simm.s32 $0x1B8E;
	s24 =	sld [smem:$0x3FFE];
	[sflag:s23] =	ssyncadd.s32 $0xFFFFFFFF  }
0xa5: {  	s26 =	simm.s32 $execute0_lowered;
	[smem:$0x3FD2] =	sst s25  }
0xa6: {  	s4 =	sshll.u32 s26, $0x1;
	_ =	strace $0x8000004F;
	[dreg:$0x1] =	wrdreg $0xFFFFFFFF  }
0xa7: {  	s28 =	simm.s32 $_size_execute0_lowered;
	s2 =	sadd.s32 s2, s4;
	[dreg:$0x0] =	wrdreg $0x0  }
0xa8: {  	s4 =	sshll.u32 s28, $0x1;
	[dreg:$0x2] =	wrdreg s2  }
0xa9: {  	[dreg:$0x3] =	wrdreg s4  }
0xaa: {  	[dreg:$0x4] =	wrdreg $0xC0  }
0xab: {  	_ =	task [dreg:s6], $0x5FFFF  }
0xac: {  	[dreg:$0x1] =	wrdreg $0xFFFFFFFF  }
0xad: {  	[dreg:$0x0] =	wrdreg $0x60  }
0xae: {  	[dreg:$0x2] =	wrdreg s24  }
0xaf: {  	[dreg:$0x3] =	wrdreg $0x9  }
0xb0: {  	_ =	task.clear_ibuf [dreg:s6], $0x4FFFF;
	_ =	strace $0x9000004F  }
0xb1: {  	s29 =	simm.s32 $0x9;
	_ =	strace $0x80000051  }
0xb2: {  	_ =	swait.ge [sflag:s29], $0x1  }
0xb3: {  	[sflag:s29] =	ssyncadd.s32 $0xFFFFFFFF  }
0xb4: {  	_ =	strace $0x90000051  }
0xb5: {  	_ =	sfence  }
0xb6: {  	s30 =	sld [smem:$0x0];
	_ =	sdelay $0x2  }
0xb7: {  	s31 =	sshll.u32 s1, $0xD;
	s1 =	sshrl.u32 s1, $0x2  }
0xb8: {  	s3 =	sand.u32 $0x4000, s31;
	s1 =	sadd.s32 s1, s30  }
0xb9: {  	s0 =	sor.u32 s3, s0;
	s1 =	sshll.u32 s1, $0x11  }
0xba: {  	s0 =	sor.u32 s1, s0  }
0xbb: {  	s0 =	sadd.s32 $0x8F2B, s0  }
0xbc: {  	[sflag:s0] =	ssyncadd.remote.s32 $0x1  }
0xbd: {  	_ =	sfence.sel $0xFFFF  }
0xbe: {  	[dreg:$0x0] =	wrdreg $0xFFFFFFFF;
	(pc) =	sbr.abs _section_cstart, $3  }
0xbf: {  	[dreg:$0x1] =	wrdreg $0xFFFFFFFF  }
0xc0: {  	_ =	task.clear_ibuf [dreg:s6], $0x2FFFF;
	_ =	strace $0x9FFFFFFF  }
0xc1: {  	(tm) =	ssettm $0x7FFFFFFF  }
tec
execute0_lowered:
.L_overlay_start_1:
0x0: {  	(tag) =	ssettag $0x1  }
0x1: {  	s1 =	srdreg.scid;
	s0 =	stileid.u32  }
0x2: {  	s5 =	rddreg [dreg:$0x0];
	s2 =	simm.s32 $0x0;
	s11 =	simm.s32 $0x4F80  }
0x3: {  	s12 =	simm.s32 $0x1400;
	s13 =	simm.s32 $0x7700;
	s14 =	simm.s32 $0x0  }
0x4: {  	s4 =	sand.u32 $0x1, s1;
	s3 =	sshll.u32 s0, $0x1;
	[smem:$0x7FF] =	sst s2  }
0x5: {  	s1 =	rddreg [dreg:$0x1];
	s6 =	sor.u32 s4, s3;
	_ =	strace $0x80000050  }
0x6: {  	s8 =	ssub.s32 $0x2, s4;
	s3 =	smul.u32 $0x280, s6;
	s6 =	sshll.u32 s6, $0x4  }
0x7: {  	s4 =	sadd.s32 $0x8600, s5;
	s9 =	sshrl.u32 s8, $0x1;
	s10 =	sadd.s32 s6, s5  }
0x8: {  	s8 =	ssub.s32 s8, s9;
	s9 =	simm.s32 $0x2800;
	s7 =	sadd.s32 s3, s5  }
0x9: {  	s3 =	sadd.s32 $0x5E00, s5;
	s8 =	smax.u32 s8, $0x1;
	s5 =	sadd.s32 $0x10200, s7  }
0xa: {  	s6 =	sadd.s32 $0xE00, s7;
	s7 =	sadd.s32 $0x6400, s10;
	s10 =	simm.s32 $0x1  }
.LBB2_1:
0xb: {  	[tilespmem:s9], [sflag:$0x1] =	stream.linear.gather [hbm4b:s3+s2], $0x2780, $0x38;
	[tilespmem:$0x7780] =	vst v63  }
0xc: {  	_ =	swait.ge [sflag:s10], $0x2780  }
0xd: {  	[sflag:s10] =	ssyncset.done $0x0  }
0xe: {  	[sflag:s10] =	ssyncadd.s32 $0xFFFFD880  }
0xf: {  	[tilespmem:s11], [sflag:$0x1] =	stream.linear.gather [hbm4b:s4+s2], $0x2780, $0x38;
	[tilespmem:$0x7780] =	vst v63  }
0x10: {  	_ =	swait.ge [sflag:s10], $0x2780  }
0x11: {  	[sflag:s10] =	ssyncset.done $0x0  }
0x12: {  	[sflag:s10] =	ssyncadd.s32 $0xFFFFD880  }
0x13: {  	[tilespmem:s2], [sflag:$0x1] =	stream.linear.gather [hbm4b:s5+s2], $0x1400, $0x38;
	[tilespmem:$0x7780] =	vst v63  }
0x14: {  	_ =	swait.ge [sflag:s10], $0x1400  }
0x15: {  	[sflag:s10] =	ssyncset.done $0x0  }
0x16: {  	[sflag:s10] =	ssyncadd.s32 $0xFFFFEC00  }
0x17: {  	[tilespmem:s12], [sflag:$0x1] =	stream.linear.gather [hbm4b:s6+s2], $0x1400, $0x38;
	[tilespmem:$0x7780] =	vst v63  }
0x18: {  	_ =	swait.ge [sflag:s10], $0x1400  }
0x19: {  	[sflag:s10] =	ssyncset.done $0x0  }
0x1a: {  	s15 =	simm.s32 $0x0;
	[sflag:s10] =	ssyncadd.s32 $0xFFFFEC00  }
0x1b: {  	v1 =	vld [tilespmem:s15+$0x1400];
	_ =	sdelay $0x1  }
0x1c: {  	v0 =	vld [tilespmem:s15+$0x0];
	_ =	sdelay $0x3  }
0x1d: {  	s30 =	simm.s32 $0x10  }
0x1e: {  	v2 =	vld [tilespmem:s30+$0x0]  }
0x1f: {  	v6 =	vld.idx.msk [tilespmem:v1+s11+$0x0], $0xffff  }
0x20: {  	v1 =	vld [tilespmem:s30+$0x1400]  }
0x21: {  	v5 =	vld.idx.msk [tilespmem:v0+s9+$0x0], $0xffff;
	_ =	sdelay $0x2  }
0x22: {  	s31 =	simm.s32 $0x20  }
0x23: {  	v3 =	vld [tilespmem:s31+$0x0]  }
0x24: {  	v4 =	vld [tilespmem:s31+$0x1400];
	v5 =	vmul.f32 v6, v5  }
0x25: {  	s15 =	simm.s32 $0xC0;
	v0 =	vimm.f32 $0.0e+00;
	v2 =	vld.idx.msk [tilespmem:v2+s9+$0x0], $0xffff  }
.LBB2_2:
0x26: {  	p0 =	sne.s32 s15, $0x4FC0;
	v6 =	vld.idx.msk [tilespmem:v1+s11+$0x0], $0xffff;
	v0 =	vadd.f32 v5, v0;
	_ =	sdelay $0x1  }
0x27: {  	v7 =	vmov v3  }
.Ltmp0:
0x28: {  	v1 =	vmov v4;
	(pc) =	sbr.rel @p0 .LBB2_2-.Ltmp0, $4  }
0x29: {  	s16 =	sshra.s32 s15, $0x2  }
0x2a: {  	v3 =	vld [tilespmem:s16+$0x0]  }
0x2b: {  	v5 =	vmul.f32 v6, v2;
	v4 =	vld [tilespmem:s16+$0x1400]  }
0x2c: {  	s15 =	sadd.s32 $0x40, s15;
	v2 =	vld.idx.msk [tilespmem:v7+s9+$0x0], $0xffff  }
0x2d: {  	_ =	sdelay $0x4  }
0x2e: {  	v1 =	vld.idx.msk [tilespmem:v1+s11+$0x0], $0xffff  }
0x2f: {  	v3 =	vld.idx.msk [tilespmem:v3+s9+$0x0], $0xffff  }
0x30: {  	v4 =	vld.idx.msk [tilespmem:v4+s11+$0x0], $0xffff;
	_ =	sdelay $0x2  }
0x31: {  	v0 =	vadd.f32 v5, v0;
	v1 =	vmul.f32 v1, v2;
	_ =	sdelay $0x1  }
0x32: {  	v0 =	vadd.f32 v1, v0;
	v63 =	vmul.f32 v4, v3;
	_ =	sdelay $0x1  }
0x33: {  	s14 =	sadd.s32 $0x1, s14;
	v0 =	vadd.f32 v63, v0  }
0x34: {  	p0 =	sne.s32 s14, s8  }
.Ltmp1:
0x35: {  	[tilespmem:$0x7700] =	vst v0;
	(pc) =	sbr.rel @p0 .LBB2_1-.Ltmp1, $4  }
0x36: {  	[hbm4b:s7+s2] =	stream.linear.scatter [tilespmem:s13], [sflag:$0x1], $0x80, $0x38;
	[tilespmem:$0x7780] =	vst v63  }
0x37: {  	_ =	swait.ge [sflag:s10], $0x80  }
0x38: {  	[sflag:s10] =	ssyncset.done $0x0  }
0x39: {  	[sflag:s10] =	ssyncadd.s32 $0xFFFFFF80  }
0x3a: {  	_ =	sfence.sel $0x180000  }
0x3b: {  	[bflag:$0x0] =	sbarrier.arrive $0xFFFF  }
0x3c: {  	p0 =	sne.s32 s0, $0x0;
	_ =	strace $0x90000050  }
0x3d: {  	s0 =	sadd.s32 @!p0 $0x100000, s1;
	[bflag:$0x2] =	sbarrier.arrive $0xFFFF  }
0x3e: {  	[sflag:s0] =	ssyncadd.tile.s32 @!p0 $0x1;
	_ =	shalt  }
.Lfunc_end2:
_tile_overlayer_lowered:
.L_overlay_start_2:
0x3f: {  	(tag) =	ssettag $0x2  }
0x40: {  	s0 =	rddreg [dreg:$0x0];
	s2 =	stileid.u32  }
0x41: {  	s1 =	rddreg [dreg:$0x1];
	p0 =	sne.s32 s2, $0x0  }
0x42: {  	s3 =	rddreg [dreg:$0x2];
	[bflag:$0x3] =	sbarrier.arrive $0xFFFF;
	s2 =	simm.s32 @!p0 $0x1C01  }
0x43: {  	[timem:s3], [sflag:s2] =	dma.local @!p0 [hbm:s0], s1  }
0x44: {  	s0 =	simm.s32 @!p0 $0x1  }
0x45: {  	_ =	swait.ge @!p0 [sflag:s0], s1  }
0x46: {  	s1 =	ssub.s32 @!p0 $0x0, s1;
	[sflag:s0] =	ssyncset.done @!p0 $0x0  }
0x47: {  	[sflag:s0] =	ssyncadd.s32 @!p0 s1  }
0x48: {  	[bflag:$0x3] =	sbarrier.arrive $0xFFFF  }
0x49: {  	_ =	shalt  }

// kernel: kernel.9.cloned.1.call-start
scs
__scs_entry_jumppad:
0x0: {  	(pc) =	sbr.rel $0x88, $3  }
0x1: {  	(tag) =	ssettag $0x0;
	lr =	simm.s32 $0x1  }
0x2: {  	[smem:$0x3F99] =	sst lr;
	_ =	strace $0xD0000000  }
0x3: {  	_ = 	snop  }
0x4: {  	_ = 	snop  }
0x5: {  	_ = 	snop  }
0x6: {  	_ = 	snop  }
0x7: {  	_ = 	snop  }
__scs_overlays_trampoline_lowered:
0x8: {  	[smem:$0x3FA8] =	sst s0  }
0x9: {  	[smem:$0x3FA9] =	sst s1  }
0xa: {  	[smem:$0x3FAA] =	sst s2  }
0xb: {  	[smem:$0x3FAB] =	sst s3  }
0xc: {  	[smem:$0x3FAC] =	sst s4  }
0xd: {  	[smem:$0x3FAD] =	sst s5  }
0xe: {  	[smem:$0x3FAE] =	sst s6  }
0xf: {  	[smem:$0x3FAF] =	sst s7  }
0x10: {  	[smem:$0x3FB0] =	sst s8  }
0x11: {  	[smem:$0x3FB1] =	sst s9;
	s0 =	simm.s32 @!p0 $0x0  }
0x12: {  	s1 =	sld [smem:$0x3F97];
	s0 =	simm.s32 @p0 $0x1  }
0x13: {  	[smem:$0x3FB2] =	sst s0;
	s0 =	simm.s32 @!p1 $0x0  }
0x14: {  	s2 =	sld [smem:$0x3F96];
	s0 =	simm.s32 @p1 $0x1  }
0x15: {  	[smem:$0x3FB3] =	sst s0;
	s0 =	simm.s32 @!p2 $0x0  }
0x16: {  	s3 =	sld [smem:$0x3FDB];
	s0 =	simm.s32 @p2 $0x1  }
0x17: {  	s4 =	simm.s32 $0x1BF5;
	[smem:$0x3FB5] =	sst s0  }
0x18: {  	s0 =	sld [smem:$0x3F98];
	_ =	swait.ge [sflag:s4], $0x0  }
0x19: {  	s7 =	sld [smem:$0x3F99]  }
0x1a: {  	s8 =	sadd.s32 $0xFFFFE003, lr  }
0x1b: {  	s9 =	sadd.s32 $0xFFFFFEF7, lr;
	s5 =	simm.s32 $0xFFFFFFFF;
	p2 =	slt.u32 s8, $0xFFFFF086  }
0x1c: {  	p1 =	slt.u32 s9, $0xF7A;
	s5 =	simm.s32 @!p2 $0x0  }
0x1d: {  	s5 =	simm.s32 @p1 $0x1;
	p0 =	seq.s32 s7, s2  }
0x1e: {  	s7 =	smul.u32 @!p0 $0xF7A, s2;
	p2 =	seq.s32 @!p0 s5, $0x0  }
0x1f: {  	s9 =	smul.u32 $0xF7A, s1;
	s8 =	simm.s32 @!p0 $0x1BF5;
	p2 =	por !p2, p0  }
0x20: {  	[sflag:s8] =	ssyncset.s32 @!p0 $0xFFFFF086;
	s6 =	sadd.s32 @!p0 s3, s7;
	s7 =	simm.s32 @!p0 $0x108  }
0x21: {  	s3 =	sadd.s32 s3, s9;
	s6 =	sadd.s32 @!p0 $0x88, s6;
	s7 =	simm.s32 @p2 $0x1082  }
0x22: {  	[simem:s7], [sflag:s8] =	dma.local @!p0 [hbm:s6], $0xF7A  }
0x23: {  	s9 =	sor.u32 $0xD0000000, s2;
	s6 =	simm.s32 $0x108;
	_ =	swait.ge @!p0 [sflag:s8], $0x0  }
0x24: {  	s3 =	sadd.s32 $0x88, s3;
	s6 =	simm.s32 @!p1 $0x1082;
	[sflag:s4] =	ssyncset.s32 $0xFFFFF086  }
0x25: {  	[simem:s6], [sflag:s4] =	dma.local [hbm:s3], $0xF7A  }
0x26: {  	[smem:$0x3F99] =	sst s1;
	(tag) =	ssettag s2;
	_ =	strace s9  }
0x27: {  	s1 =	sld [smem:$0x3FA9]  }
0x28: {  	s2 =	sld [smem:$0x3FAA]  }
0x29: {  	s4 =	sld [smem:$0x3FAC]  }
0x2a: {  	p0 =	seq.s32 s5, $0x0;
	s5 =	sld [smem:$0x3FAD]  }
0x2b: {  	s6 =	sld [smem:$0x3FAE]  }
0x2c: {  	s7 =	sld [smem:$0x3FAF]  }
0x2d: {  	s3 =	simm.s32 $0x108;
	s8 =	sld [smem:$0x3FB0]  }
0x2e: {  	s3 =	simm.s32 @!p0 $0x1082;
	s9 =	sld [smem:$0x3FB1]  }
0x2f: {  	lr =	sadd.s32 s0, s3;
	s0 =	sld [smem:$0x3FA8]  }
0x30: {  	s3 =	sld [smem:$0x3FAB]  }
0x31: {  	[smem:$0x3FB4] =	sst s10  }
0x32: {  	s10 =	sld [smem:$0x3FB2];
	_ =	sdelay $0x3  }
0x33: {  	p0 =	seq.s32 s10, $0x1;
	s10 =	sld [smem:$0x3FB4];
	_ =	sdelay $0x3  }
0x34: {  	[smem:$0x3FB4] =	sst s10  }
0x35: {  	s10 =	sld [smem:$0x3FB3];
	_ =	sdelay $0x3  }
0x36: {  	p1 =	seq.s32 s10, $0x1;
	s10 =	sld [smem:$0x3FB4];
	_ =	sdelay $0x3  }
0x37: {  	[smem:$0x3FB4] =	sst s10  }
0x38: {  	s10 =	sld [smem:$0x3FB5]  }
0x39: {  	_ = 	snop;
	(pc) =	sbr.ind lr, $3  }
0x3a: {  	_ = 	snop  }
0x3b: {  	_ = 	snop  }
0x3c: {  	p2 =	seq.s32 s10, $0x1;
	s10 =	sld [smem:$0x3FB4]  }
0x3d: {  	_ =	shalt  }
0x3e: {  	_ =	shalt  }
0x3f: {  	_ =	shalt  }
0x40: {  	_ =	shalt  }
0x41: {  	_ =	shalt  }
0x42: {  	_ =	shalt  }
0x43: {  	_ =	shalt  }
0x44: {  	_ =	shalt  }
0x45: {  	_ =	shalt  }
0x46: {  	_ =	shalt  }
0x47: {  	_ =	shalt  }
0x48: {  	_ =	shalt  }
0x49: {  	_ =	shalt  }
0x4a: {  	_ =	shalt  }
0x4b: {  	_ =	shalt  }
0x4c: {  	_ =	shalt  }
0x4d: {  	_ =	shalt  }
0x4e: {  	_ =	shalt  }
0x4f: {  	_ =	shalt  }
0x50: {  	_ =	shalt  }
0x51: {  	_ =	shalt  }
0x52: {  	_ =	shalt  }
0x53: {  	_ =	shalt  }
0x54: {  	_ =	shalt  }
0x55: {  	_ =	shalt  }
0x56: {  	_ =	shalt  }
0x57: {  	_ =	shalt  }
0x58: {  	_ =	shalt  }
0x59: {  	_ =	shalt  }
0x5a: {  	_ =	shalt  }
0x5b: {  	_ =	shalt  }
0x5c: {  	_ =	shalt  }
0x5d: {  	_ =	shalt  }
0x5e: {  	_ =	shalt  }
0x5f: {  	_ =	shalt  }
0x60: {  	_ =	shalt  }
0x61: {  	_ =	shalt  }
0x62: {  	_ =	shalt  }
0x63: {  	_ =	shalt  }
0x64: {  	_ =	shalt  }
0x65: {  	_ =	shalt  }
0x66: {  	_ =	shalt  }
0x67: {  	_ =	shalt  }
0x68: {  	_ =	shalt  }
0x69: {  	_ =	shalt  }
0x6a: {  	_ =	shalt  }
0x6b: {  	_ =	shalt  }
0x6c: {  	_ =	shalt  }
0x6d: {  	_ =	shalt  }
0x6e: {  	_ =	shalt  }
0x6f: {  	_ =	shalt  }
0x70: {  	_ =	shalt  }
0x71: {  	_ =	shalt  }
0x72: {  	_ =	shalt  }
0x73: {  	_ =	shalt  }
0x74: {  	_ =	shalt  }
0x75: {  	_ =	shalt  }
0x76: {  	_ =	shalt  }
0x77: {  	_ =	shalt  }
0x78: {  	_ =	shalt  }
0x79: {  	_ =	shalt  }
0x7a: {  	_ =	shalt  }
0x7b: {  	_ =	shalt  }
0x7c: {  	_ =	shalt  }
0x7d: {  	_ =	shalt  }
0x7e: {  	_ =	shalt  }
0x7f: {  	_ =	shalt  }
0x80: {  	_ =	shalt  }
0x81: {  	_ =	shalt  }
0x82: {  	_ =	shalt  }
0x83: {  	_ =	shalt  }
0x84: {  	_ =	shalt  }
0x85: {  	_ =	shalt  }
0x86: {  	_ =	shalt  }
0x87: {  	_ =	shalt  }
.Lfunc_end0:
.L_simem_size_0:
called_computation_lowered:
.L_overlay_start_0:
0x88: {  	s2 =	sld [smem:$0x3FD9]  }
0x89: {  	s3 =	sld [smem:$0x3FFE];
	_ =	sdelay $0x1  }
0x8a: {  	s1 =	srdreg.scid  }
0x8b: {  	s0 =	sand.u32 $0x1, s1  }
0x8c: {  	s16 =	sshll.u32 s0, $0xA;
	s2 =	sadd.s32 s3, s2  }
0x8d: {  	s2 =	sadd.s32 s2, s16  }
0x8e: {  	[smem:$0x3FC0] =	sst s2  }
0x8f: {  	_ = 	snop  }
0x90: {  	(tm) =	ssettm $0x1  }
0x91: {  	s17 =	sld [smem:$0x3FFB];
	_ =	sdelay $0x3  }
0x92: {  	_ =	strace s17  }
0x93: {  	s2 =	sld [smem:$0x3FFC];
	_ =	sdelay $0x3  }
0x94: {  	_ =	strace s2  }
0x95: {  	s2 =	sld [smem:$0x3FFD];
	_ =	sdelay $0x3  }
0x96: {  	_ =	strace s2  }
0x97: {  	_ =	strace $0x8FFFFFFF  }
0x98: {  	s18 =	sld [smem:$0x3FDB];
	_ =	sdelay $0x1  }
0x99: {  	s19 =	simm.s32 $_scs_section_size  }
0x9a: {  	s4 =	simm.s32 $_size__tile_overlayer_lowered;
	s5 =	simm.s32 $_tile_overlayer_lowered  }
0x9b: {  	s22 =	simm.s32 $0x1BFF;
	s21 =	sshll.u32 s5, $0x1;
	s2 =	sadd.s32 s19, s18  }
0x9c: {  	s6 =	simm.s32 $0x0;
	s20 =	sshll.u32 s4, $0x1;
	s4 =	sadd.s32 s21, s2  }
0x9d: {  	[timem:s6], [sflag:s22] =	dma.local [hbm:s4], s20  }
0x9e: {  	_ =	swait.ge [sflag:s22], s20  }
0x9f: {  	s3 =	ssub.s32 $0x0, s20;
	[sflag:s22] =	ssyncset.done $0x0  }
0xa0: {  	[sflag:s22] =	ssyncadd.s32 s3;
	_ =	sdelay $0x1  }
0xa1: {  	s23 =	simm.s32 $0x1B8B  }
0xa2: {  	_ =	swait.ge [sflag:s23], $0x1  }
0xa3: {  	[sflag:s23] =	ssyncset.done $0x0  }
0xa4: {  	s25 =	simm.s32 $0x1B8E;
	s24 =	sld [smem:$0x3FFE];
	[sflag:s23] =	ssyncadd.s32 $0xFFFFFFFF  }
0xa5: {  	s26 =	simm.s32 $execute0_lowered;
	[smem:$0x3FD2] =	sst s25  }
0xa6: {  	s4 =	sshll.u32 s26, $0x1;
	_ =	strace $0x80000046;
	[dreg:$0x1] =	wrdreg $0xFFFFFFFF  }
0xa7: {  	s28 =	simm.s32 $_size_execute0_lowered;
	s2 =	sadd.s32 s2, s4;
	[dreg:$0x0] =	wrdreg $0x0  }
0xa8: {  	s4 =	sshll.u32 s28, $0x1;
	[dreg:$0x2] =	wrdreg s2  }
0xa9: {  	[dreg:$0x3] =	wrdreg s4  }
0xaa: {  	[dreg:$0x4] =	wrdreg $0xC0  }
0xab: {  	_ =	task [dreg:s6], $0x5FFFF  }
0xac: {  	[dreg:$0x1] =	wrdreg $0xFFFFFFFF  }
0xad: {  	[dreg:$0x0] =	wrdreg $0x60  }
0xae: {  	[dreg:$0x2] =	wrdreg s24  }
0xaf: {  	[dreg:$0x3] =	wrdreg $0x9  }
0xb0: {  	_ =	task.clear_ibuf [dreg:s6], $0x4FFFF;
	_ =	strace $0x90000046  }
0xb1: {  	s29 =	simm.s32 $0x9;
	_ =	strace $0x80000048  }
0xb2: {  	_ =	swait.ge [sflag:s29], $0x1  }
0xb3: {  	[sflag:s29] =	ssyncadd.s32 $0xFFFFFFFF  }
0xb4: {  	_ =	strace $0x90000048  }
0xb5: {  	_ =	sfence  }
0xb6: {  	s30 =	sld [smem:$0x0];
	_ =	sdelay $0x2  }
0xb7: {  	s31 =	sshll.u32 s1, $0xD;
	s1 =	sshrl.u32 s1, $0x2  }
0xb8: {  	s3 =	sand.u32 $0x4000, s31;
	s1 =	sadd.s32 s1, s30  }
0xb9: {  	s0 =	sor.u32 s3, s0;
	s1 =	sshll.u32 s1, $0x11  }
0xba: {  	s0 =	sor.u32 s1, s0  }
0xbb: {  	s0 =	sadd.s32 $0x8F2B, s0  }
0xbc: {  	[sflag:s0] =	ssyncadd.remote.s32 $0x1  }
0xbd: {  	_ =	sfence.sel $0xFFFF  }
0xbe: {  	[dreg:$0x0] =	wrdreg $0xFFFFFFFF;
	(pc) =	sbr.abs _section_cstart, $3  }
0xbf: {  	[dreg:$0x1] =	wrdreg $0xFFFFFFFF  }
0xc0: {  	_ =	task.clear_ibuf [dreg:s6], $0x2FFFF;
	_ =	strace $0x9FFFFFFF  }
0xc1: {  	(tm) =	ssettm $0x7FFFFFFF  }
tec
execute0_lowered:
.L_overlay_start_1:
0x0: {  	(tag) =	ssettag $0x1  }
0x1: {  	s1 =	srdreg.scid  }
0x2: {  	s0 =	stileid.u32;
	s4 =	rddreg [dreg:$0x0];
	s8 =	simm.s32 $0x1  }
0x3: {  	s9 =	simm.s32 $0x80;
	s10 =	simm.s32 $0x400;
	s11 =	simm.s32 $0x0  }
0x4: {  	s3 =	sand.u32 $0x1, s1;
	s2 =	sshll.u32 s0, $0x1;
	s1 =	rddreg [dreg:$0x1]  }
0x5: {  	s6 =	sshrl.u32 s0, $0x2;
	s5 =	sor.u32 s3, s2;
	s2 =	simm.s32 $0x0  }
0x6: {  	s6 =	smul.u32 $0x13C00, s6;
	s30 =	ssub.s32 $0x2, s3;
	s7 =	sshll.u32 s5, $0x7  }
0x7: {  	s3 =	sadd.s32 $0x5E00, s4;
	s5 =	smul.u32 $0x280, s5;
	s7 =	sand.u32 $0x380, s7  }
0x8: {  	[smem:$0x7FF] =	sst s2;
	s31 =	sshrl.u32 s30, $0x1;
	s6 =	sor.u32 s6, s7  }
0x9: {  	_ =	strace $0x80000047;
	s5 =	sadd.s32 s5, s4;
	s6 =	sshrl.u32 s6, $0x3  }
0xa: {  	s7 =	ssub.s32 s30, s31;
	s6 =	sadd.s32 s6, s4;
	s4 =	sadd.s32 $0xE00, s5  }
0xb: {  	v0 =	vimm.f32 $1.000000000e+00;
	s5 =	sadd.s32 $0x6400, s6;
	s6 =	smax.u32 s7, $0x1;
	s7 =	simm.s32 $0x1400  }
.LBB2_1:
0xc: {  	[tilespmem:s7], [sflag:$0x1] =	stream.linear.gather [hbm4b:s3+s2], $0x2780, $0x38;
	[tilespmem:$0x3B80] =	vst v63  }
0xd: {  	_ =	swait.ge [sflag:s8], $0x2780  }
0xe: {  	[sflag:s8] =	ssyncset.done $0x0  }
0xf: {  	[sflag:s8] =	ssyncadd.s32 $0xFFFFD880  }
0x10: {  	[tilespmem:s2], [sflag:$0x1] =	stream.linear.gather [hbm4b:s4+s2], $0x1400, $0x38;
	[tilespmem:$0x3B80] =	vst v63  }
0x11: {  	_ =	swait.ge [sflag:s8], $0x1400  }
0x12: {  	[sflag:s8] =	ssyncset.done $0x0  }
0x13: {  	s13 =	simm.s32 $0x0;
	s12 =	simm.s32 $0x40;
	[sflag:s8] =	ssyncadd.s32 $0xFFFFEC00  }
.LBB2_2:
0x14: {  	p0 =	sne.s32 s12, $0x4FC0;
	v1 =	vld [tilespmem:s13+$0x0];
	_ =	sdelay $0x3  }
.Ltmp0:
0x15: {  	(pc) =	sbr.rel @p0 .LBB2_2-.Ltmp0, $2  }
0x16: {  	_ =	sdelay $0x2  }
0x17: {  	s13 =	sshra.s32 s12, $0x2;
	s12 =	sadd.s32 $0x40, s12;
	[tilespmem:v1+s7+$0x0] =	vst.idx.add.f32.msk $0xffff, v0  }
0x18: {  	v1 =	vld [tilespmem:s13+$0x0];
	_ =	sdelay $0x5  }
0x19: {  	s11 =	sadd.s32 $0x1, s11  }
0x1a: {  	p0 =	sne.s32 s11, s6  }
.Ltmp1:
0x1b: {  	[tilespmem:v1+s7+$0x0] =	vst.idx.add.f32.msk $0xffff, v0;
	(pc) =	sbr.rel @p0 .LBB2_1-.Ltmp1, $4  }
0x1c: {  	[hbm4b:s5+s9] =	stream.strided.scatter [tilespmem:s7], [sflag:$0x1], $0x2780, s10, s9, $0x38;
	[tilespmem:$0x3B80] =	vst v63  }
0x1d: {  	_ =	swait.ge [sflag:s8], $0x2780  }
0x1e: {  	[sflag:s8] =	ssyncset.done $0x0  }
0x1f: {  	[sflag:s8] =	ssyncadd.s32 $0xFFFFD880  }
0x20: {  	_ =	sfence.sel $0x180000  }
0x21: {  	[bflag:$0x0] =	sbarrier.arrive $0xFFFF  }
0x22: {  	p0 =	sne.s32 s0, $0x0;
	_ =	strace $0x90000047  }
0x23: {  	s0 =	sadd.s32 @!p0 $0x100000, s1;
	[bflag:$0x2] =	sbarrier.arrive $0xFFFF  }
0x24: {  	[sflag:s0] =	ssyncadd.tile.s32 @!p0 $0x1;
	_ =	shalt  }
.Lfunc_end2:
_tile_overlayer_lowered:
.L_overlay_start_2:
0x25: {  	(tag) =	ssettag $0x2  }
0x26: {  	s0 =	rddreg [dreg:$0x0];
	s2 =	stileid.u32  }
0x27: {  	s1 =	rddreg [dreg:$0x1];
	p0 =	sne.s32 s2, $0x0  }
0x28: {  	s3 =	rddreg [dreg:$0x2];
	[bflag:$0x3] =	sbarrier.arrive $0xFFFF;
	s2 =	simm.s32 @!p0 $0x1C01  }
0x29: {  	[timem:s3], [sflag:s2] =	dma.local @!p0 [hbm:s0], s1  }
0x2a: {  	s0 =	simm.s32 @!p0 $0x1  }
0x2b: {  	_ =	swait.ge @!p0 [sflag:s0], s1  }
0x2c: {  	s1 =	ssub.s32 @!p0 $0x0, s1;
	[sflag:s0] =	ssyncset.done @!p0 $0x0  }
0x2d: {  	[sflag:s0] =	ssyncadd.s32 @!p0 s1  }
0x2e: {  	[bflag:$0x3] =	sbarrier.arrive $0xFFFF  }
0x2f: {  	_ =	shalt  }

</sc_bundles>
